<compile_context>
chip_gen: v7x
topology: tpu7x:2x2x1
jax: 0.10.2.dev20260603
libtpu: 0.0.44.dev20260713+nightly
codegen_flags: <defaults>
</compile_context>

<pallas_src>
import functools

import jax
import jax.numpy as jnp
from jax import lax
from jax.experimental import pallas as pl
from jax.experimental.pallas import tpu as pltpu
from jax.experimental.pallas import tpu_sc as plsc

N = 10000
E = 320000
NC = 2
NS = 16
NW = NC * NS
EPW = E // NW
K = 80
NCHUNK = EPW // K
RPT = 632


def _make_edge_scatter(D):
  mesh = plsc.VectorSubcoreMesh(
      core_axis_name="c", subcore_axis_name="s", num_cores=NC, num_subcores=NS
  )

  @functools.partial(
      pl.kernel,
      out_type=jax.ShapeDtypeStruct((NC, N, D), jnp.float32),
      mesh=mesh,
      scratch_types=[
          pltpu.VMEM((NCHUNK, K), jnp.int32),
          pltpu.VMEM((NCHUNK, K), jnp.int32),
          pltpu.VMEM((K, D), jnp.float32),
          pltpu.VMEM_SHARED((N, D), jnp.float32),
          pltpu.SemaphoreType.DMA,
      ],
      compiler_params=pltpu.CompilerParams(use_tc_tiling_on_sc=False),
  )
  def k(table_hbm, src_hbm, dst_hbm, zeros_hbm, out_hbm,
        src_v, dst_v, rows_v, acc, sem):
    c = lax.axis_index("c")
    s = lax.axis_index("s")
    wid = s * NC + c
    pltpu.sync_copy(src_hbm.at[wid], src_v)
    pltpu.sync_copy(dst_hbm.at[wid], dst_v)
    row0 = jnp.minimum(s * RPT, N - RPT)
    pltpu.sync_copy(zeros_hbm, acc.at[pl.ds(row0, RPT)])
    plsc.subcore_barrier()

    def body(j, carry):
      pltpu.async_copy(table_hbm.at[src_v.at[j]], rows_v, sem).wait()
      pltpu.sync_copy(rows_v, acc.at[dst_v.at[j]], add=True)
      return carry

    lax.fori_loop(0, NCHUNK, body, 0)
    plsc.subcore_barrier()
    pltpu.sync_copy(acc.at[pl.ds(row0, RPT)],
                    out_hbm.at[c, pl.ds(row0, RPT)])

  return k


_scatter_deg = _make_edge_scatter(8)
_scatter_l1 = _make_edge_scatter(64)
_scatter_l2 = _make_edge_scatter(32)



_ROWS = 2000
_GRID = N // _ROWS


def _rb(d):
  return pl.BlockSpec((_ROWS, d), lambda i: (i, 0))


def _full(a, b):
  return pl.BlockSpec((a, b), lambda i: (0, 0))


def _tc_stage1_body(deg0_ref, deg1_ref, x_ref, w1_ref, dinv_ref, h1p_ref):
  deg = deg0_ref[:, :1] + deg1_ref[:, :1] + 1.0
  dinv = lax.rsqrt(deg)
  dinv_ref[...] = dinv
  h = lax.dot_general(x_ref[...], w1_ref[...], (((1,), (1,)), ((), ())),
                      preferred_element_type=jnp.float32)
  h1p_ref[...] = dinv * h


def _tc_stage1(deg0, deg1, x, W1):
  return pl.pallas_call(
      _tc_stage1_body,
      grid=(_GRID,),
      in_specs=[_rb(8), _rb(8), _rb(128), _full(64, 128)],
      out_specs=[_rb(1), _rb(64)],
      out_shape=[
          jax.ShapeDtypeStruct((N, 1), jnp.float32),
          jax.ShapeDtypeStruct((N, 64), jnp.float32),
      ],
  )(deg0, deg1, x, W1)


def _tc_stage2_body(p0_ref, p1_ref, h1p_ref, dinv_ref, b1_ref, w2_ref,
                    h2p_ref):
  dinv = dinv_ref[...]
  g = p0_ref[...] + p1_ref[...] + h1p_ref[...]
  h1 = jnp.maximum(dinv * g + b1_ref[...], 0.0)
  h2 = lax.dot_general(h1, w2_ref[...], (((1,), (1,)), ((), ())),
                       preferred_element_type=jnp.float32)
  h2p_ref[...] = dinv * h2


def _tc_stage2(p0, p1, h1p, dinv, b1, W2):
  return pl.pallas_call(
      _tc_stage2_body,
      grid=(_GRID,),
      in_specs=[_rb(64), _rb(64), _rb(64), _rb(1), _full(1, 64),
                _full(32, 64)],
      out_specs=_rb(32),
      out_shape=jax.ShapeDtypeStruct((N, 32), jnp.float32),
  )(p0, p1, h1p, dinv, b1, W2)


def _tc_stage3_body(p0_ref, p1_ref, h2p_ref, dinv_ref, b2_ref, wc1_ref,
                    bc1_ref, wc2_ref, bc2_ref, out_ref):
  g = p0_ref[...] + p1_ref[...] + h2p_ref[...]
  h2 = jnp.maximum(dinv_ref[...] * g + b2_ref[...], 0.0)
  hc = lax.dot_general(h2, wc1_ref[...], (((1,), (1,)), ((), ())),
                       preferred_element_type=jnp.float32)
  hc = jnp.maximum(hc + bc1_ref[...], 0.0)
  out = lax.dot_general(hc, wc2_ref[...], (((1,), (1,)), ((), ())),
                        preferred_element_type=jnp.float32)
  out_ref[...] = out + bc2_ref[...]


def _tc_stage3(p0, p1, h2p, dinv, b2, Wc1, bc1, Wc2, bc2):
  return pl.pallas_call(
      _tc_stage3_body,
      grid=(_GRID,),
      in_specs=[_rb(32), _rb(32), _rb(32), _rb(1), _full(1, 32),
                _full(16, 32), _full(1, 16), _full(10, 16), _full(1, 10)],
      out_specs=_rb(10),
      out_shape=jax.ShapeDtypeStruct((N, 10), jnp.float32),
  )(p0, p1, h2p, dinv, b2, Wc1, bc1, Wc2, bc2)


def kernel(x, edge_index, W1, b1, W2, b2, Wc1, bc1, Wc2, bc2):
  src3 = edge_index[0].reshape(NW, NCHUNK, K)
  dst3 = edge_index[1].reshape(NW, NCHUNK, K)
  zero_idx = jnp.zeros((NW, NCHUNK, K), jnp.int32)
  ones_tbl = jnp.ones((8, 8), jnp.float32)
  z8 = jnp.zeros((RPT, 8), jnp.float32)
  z64 = jnp.zeros((RPT, 64), jnp.float32)
  z32 = jnp.zeros((RPT, 32), jnp.float32)

  degp = _scatter_deg(ones_tbl, zero_idx, dst3, z8)
  dinv, h1p = _tc_stage1(degp[0], degp[1], x, W1)
  p1 = _scatter_l1(h1p, src3, dst3, z64)
  h2p = _tc_stage2(p1[0], p1[1], h1p, dinv, b1.reshape(1, 64), W2)
  p2 = _scatter_l2(h2p, src3, dst3, z32)
  out = _tc_stage3(p2[0], p2[1], h2p, dinv, b2.reshape(1, 32),
                   Wc1, bc1.reshape(1, 16), Wc2, bc2.reshape(1, 10))
  return out

# --- scband reference (transcript-rebuilt; emitter-appended) ---
"""Pipeline reference for scband-graph-neural-network-63419487092924 (READ-ONLY COPY).

The authoritative reference and input builder live on the scoring server;
editing this copy changes nothing except your own understanding.
"""

import jax, jax.numpy as jnp
import numpy as np

N = 10000
E = 320000
F_IN = 128
NUM_CLASSES = 10


def gcn_conv(x, src, dst, W, b, n):
    # PyG GCNConv: add self-loops (done by caller), symmetric normalization,
    # linear transform (no bias in lin), scatter-add aggregation, then bias.
    deg = jax.ops.segment_sum(jnp.ones_like(dst, dtype=x.dtype), dst, num_segments=n)
    dinv = jnp.where(deg > 0, 1.0 / jnp.sqrt(deg), 0.0)
    norm = dinv[src] * dinv[dst]
    h = x @ W.T
    msg = norm[:, None] * h[src]
    out = jax.ops.segment_sum(msg, dst, num_segments=n)
    return out + b


def setup_inputs(seed: int = 0):
    key = jax.random.key(seed)
    ks = jax.random.split(key, 8)
    x = jax.random.normal(ks[0], (N, F_IN), dtype=jnp.float32)
    edge_index = jax.random.randint(ks[1], (2, E), 0, N, dtype=jnp.int32)

    def glorot(k, shape):
        fan_out, fan_in = shape
        s = jnp.sqrt(6.0 / (fan_in + fan_out))
        return jax.random.uniform(k, shape, jnp.float32, -s, s)

    W1 = glorot(ks[2], (64, F_IN)); b1 = jnp.zeros((64,), jnp.float32)
    W2 = glorot(ks[3], (32, 64)); b2 = jnp.zeros((32,), jnp.float32)
    Wc1 = glorot(ks[4], (16, 32)); bc1 = jnp.zeros((16,), jnp.float32)
    Wc2 = glorot(ks[5], (NUM_CLASSES, 16)); bc2 = jnp.zeros((NUM_CLASSES,), jnp.float32)
    return {"x": x, "edge_index": edge_index, "W1": W1, "b1": b1, "W2": W2, "b2": b2,
            "Wc1": Wc1, "bc1": bc1, "Wc2": Wc2, "bc2": bc2}


def reference(x, edge_index, W1, b1, W2, b2, Wc1, bc1, Wc2, bc2):
    n = x.shape[0]
    loops = jnp.arange(n, dtype=edge_index.dtype)
    src = jnp.concatenate([edge_index[0], loops])
    dst = jnp.concatenate([edge_index[1], loops])
    h = gcn_conv(x, src, dst, W1, b1, n)
    h = jax.nn.relu(h)
    h = gcn_conv(h, src, dst, W2, b2, n)
    h = jax.nn.relu(h)
    # classifier: Linear(32,16) -> ReLU -> Dropout(eval: identity) -> Linear(16,num_classes)
    h = jax.nn.relu(h @ Wc1.T + bc1)
    out = h @ Wc2.T + bc2
    return out

if __name__ == "__main__":
    import jax
    _d = setup_inputs()
    print(jax.jit(kernel)(*tuple(_d.values())))

</pallas_src>

<mosaic_0001>
#map = affine_map<(d0, d1) -> (0, 0)>
#map1 = affine_map<(d0, d1) -> (0, 0, 0)>
module attributes {stable_mosaic.version = 14 : i64} {
  func.func @k(%arg0: i32, %arg1: i32, %arg2: memref<10000x64xf32, #tpu.memory_space<hbm>>, %arg3: memref<32x125x80xi32, #tpu.memory_space<hbm>>, %arg4: memref<32x125x80xi32, #tpu.memory_space<hbm>>, %arg5: memref<632x64xf32, #tpu.memory_space<hbm>>, %arg6: memref<2x10000x64xf32, #tpu.memory_space<hbm>>, %arg7: memref<125x80xi32, #tpu.memory_space<vmem>>, %arg8: memref<125x80xi32, #tpu.memory_space<vmem>>, %arg9: memref<80x64xf32, #tpu.memory_space<vmem>>, %arg10: memref<10000x64xf32, #tpu.memory_space<vmem_shared>>, %arg11: memref<!tpu.dma_semaphore, #tpu.memory_space<semaphore_mem>>) attributes {dimension_semantics = [#tpu.dimension_semantics<core_parallel>, #tpu.dimension_semantics<subcore_parallel>], iteration_bounds = array<i64: 2, 16>, scalar_prefetch = 0 : i64, scratch_operands = 5 : i64, tpu.core_type = #tpu.core_type<sc_vector_subcore>, window_params = [{transform_indices = #map}, {transform_indices = #map1}, {transform_indices = #map1}, {transform_indices = #map}, {transform_indices = #map1}]} {
    %mul3A = arith.constant 2 : i32
    %mul3A_0 = arith.muli %arg1, %mul3A : i32
    %add3A = arith.addi %mul3A_0, %arg0 : i32
    "tpu.region"() ({
      %run_scoped3A = tpu.sem_alloc : memref<!tpu.dma_semaphore, #tpu.memory_space<semaphore_mem>>
      %dma_start3A = arith.constant 0 : i32
      %dma_start3A_10 = arith.constant 0 : i32
      %dma_start3A_11 = tpu.memref_slice %arg3[%add3A, %dma_start3A, %dma_start3A_10] : memref<32x125x80xi32, #tpu.memory_space<hbm>> -> memref<1x125x80xi32, #tpu.memory_space<hbm>>
      %dma_start3A_12 = tpu.memref_squeeze %dma_start3A_11 : memref<1x125x80xi32, #tpu.memory_space<hbm>> -> memref<125x80xi32, #tpu.memory_space<hbm>>
      %dma_start3A_13 = arith.constant 0 : i32
      %dma_start3A_14 = arith.constant 0 : i32
      %dma_start3A_15 = tpu.memref_slice %arg3[%add3A, %dma_start3A_13, %dma_start3A_14] : memref<32x125x80xi32, #tpu.memory_space<hbm>> -> memref<1x125x80xi32, #tpu.memory_space<hbm>>
      %dma_start3A_16 = tpu.memref_squeeze %dma_start3A_15 : memref<1x125x80xi32, #tpu.memory_space<hbm>> -> memref<125x80xi32, #tpu.memory_space<hbm>>
      tpu.enqueue_dma source(%dma_start3A_16 : memref<125x80xi32, #tpu.memory_space<hbm>>) target(%arg7 : memref<125x80xi32, #tpu.memory_space<vmem>>) target_semaphore(%run_scoped3A : memref<!tpu.dma_semaphore, #tpu.memory_space<semaphore_mem>>)
      %dma_wait3A = arith.constant 0 : i32
      %dma_wait3A_17 = arith.constant 0 : i32
      %dma_wait3A_18 = tpu.memref_slice %arg3[%add3A, %dma_wait3A, %dma_wait3A_17] : memref<32x125x80xi32, #tpu.memory_space<hbm>> -> memref<1x125x80xi32, #tpu.memory_space<hbm>>
      %dma_wait3A_19 = tpu.memref_squeeze %dma_wait3A_18 : memref<1x125x80xi32, #tpu.memory_space<hbm>> -> memref<125x80xi32, #tpu.memory_space<hbm>>
      %dma_wait3A_20 = arith.constant 0 : i32
      %dma_wait3A_21 = arith.constant 0 : i32
      %dma_wait3A_22 = tpu.memref_slice %arg3[%add3A, %dma_wait3A_20, %dma_wait3A_21] : memref<32x125x80xi32, #tpu.memory_space<hbm>> -> memref<1x125x80xi32, #tpu.memory_space<hbm>>
      %dma_wait3A_23 = tpu.memref_squeeze %dma_wait3A_22 : memref<1x125x80xi32, #tpu.memory_space<hbm>> -> memref<125x80xi32, #tpu.memory_space<hbm>>
      tpu.wait_dma2 semaphore(%run_scoped3A : memref<!tpu.dma_semaphore, #tpu.memory_space<semaphore_mem>>) src(%dma_wait3A_23 : memref<125x80xi32, #tpu.memory_space<hbm>>) dst(%arg7 : memref<125x80xi32, #tpu.memory_space<vmem>>)
      tpu.yield
    }) : () -> ()
    "tpu.region"() ({
      %run_scoped3A = tpu.sem_alloc : memref<!tpu.dma_semaphore, #tpu.memory_space<semaphore_mem>>
      %dma_start3A = arith.constant 0 : i32
      %dma_start3A_10 = arith.constant 0 : i32
      %dma_start3A_11 = tpu.memref_slice %arg4[%add3A, %dma_start3A, %dma_start3A_10] : memref<32x125x80xi32, #tpu.memory_space<hbm>> -> memref<1x125x80xi32, #tpu.memory_space<hbm>>
      %dma_start3A_12 = tpu.memref_squeeze %dma_start3A_11 : memref<1x125x80xi32, #tpu.memory_space<hbm>> -> memref<125x80xi32, #tpu.memory_space<hbm>>
      %dma_start3A_13 = arith.constant 0 : i32
      %dma_start3A_14 = arith.constant 0 : i32
      %dma_start3A_15 = tpu.memref_slice %arg4[%add3A, %dma_start3A_13, %dma_start3A_14] : memref<32x125x80xi32, #tpu.memory_space<hbm>> -> memref<1x125x80xi32, #tpu.memory_space<hbm>>
      %dma_start3A_16 = tpu.memref_squeeze %dma_start3A_15 : memref<1x125x80xi32, #tpu.memory_space<hbm>> -> memref<125x80xi32, #tpu.memory_space<hbm>>
      tpu.enqueue_dma source(%dma_start3A_16 : memref<125x80xi32, #tpu.memory_space<hbm>>) target(%arg8 : memref<125x80xi32, #tpu.memory_space<vmem>>) target_semaphore(%run_scoped3A : memref<!tpu.dma_semaphore, #tpu.memory_space<semaphore_mem>>)
      %dma_wait3A = arith.constant 0 : i32
      %dma_wait3A_17 = arith.constant 0 : i32
      %dma_wait3A_18 = tpu.memref_slice %arg4[%add3A, %dma_wait3A, %dma_wait3A_17] : memref<32x125x80xi32, #tpu.memory_space<hbm>> -> memref<1x125x80xi32, #tpu.memory_space<hbm>>
      %dma_wait3A_19 = tpu.memref_squeeze %dma_wait3A_18 : memref<1x125x80xi32, #tpu.memory_space<hbm>> -> memref<125x80xi32, #tpu.memory_space<hbm>>
      %dma_wait3A_20 = arith.constant 0 : i32
      %dma_wait3A_21 = arith.constant 0 : i32
      %dma_wait3A_22 = tpu.memref_slice %arg4[%add3A, %dma_wait3A_20, %dma_wait3A_21] : memref<32x125x80xi32, #tpu.memory_space<hbm>> -> memref<1x125x80xi32, #tpu.memory_space<hbm>>
      %dma_wait3A_23 = tpu.memref_squeeze %dma_wait3A_22 : memref<1x125x80xi32, #tpu.memory_space<hbm>> -> memref<125x80xi32, #tpu.memory_space<hbm>>
      tpu.wait_dma2 semaphore(%run_scoped3A : memref<!tpu.dma_semaphore, #tpu.memory_space<semaphore_mem>>) src(%dma_wait3A_23 : memref<125x80xi32, #tpu.memory_space<hbm>>) dst(%arg8 : memref<125x80xi32, #tpu.memory_space<vmem>>)
      tpu.yield
    }) : () -> ()
    %mul3A_1 = arith.constant 632 : i32
    %mul3A_2 = arith.muli %arg1, %mul3A_1 : i32
    %min3A = arith.constant 9368 : i32
    %min3A_3 = arith.minsi %mul3A_2, %min3A : i32
    "tpu.region"() ({
      %run_scoped3A = tpu.sem_alloc : memref<!tpu.dma_semaphore, #tpu.memory_space<semaphore_mem>>
      %dma_start3A = arith.constant 0 : i32
      %dma_start3A_10 = tpu.memref_slice %arg10[%min3A_3, %dma_start3A] : memref<10000x64xf32, #tpu.memory_space<vmem_shared>> -> memref<632x64xf32, #tpu.memory_space<vmem_shared>>
      tpu.enqueue_dma source(%arg5 : memref<632x64xf32, #tpu.memory_space<hbm>>) target(%dma_start3A_10 : memref<632x64xf32, #tpu.memory_space<vmem_shared>>) target_semaphore(%run_scoped3A : memref<!tpu.dma_semaphore, #tpu.memory_space<semaphore_mem>>)
      %dma_wait3A = arith.constant 0 : i32
      %dma_wait3A_11 = tpu.memref_slice %arg10[%min3A_3, %dma_wait3A] : memref<10000x64xf32, #tpu.memory_space<vmem_shared>> -> memref<632x64xf32, #tpu.memory_space<vmem_shared>>
      tpu.wait_dma2 semaphore(%run_scoped3A : memref<!tpu.dma_semaphore, #tpu.memory_space<semaphore_mem>>) src(%arg5 : memref<632x64xf32, #tpu.memory_space<hbm>>) dst(%dma_wait3A_11 : memref<632x64xf32, #tpu.memory_space<vmem_shared>>)
      tpu.yield
    }) : () -> ()
    %barrier3A = arith.constant 0 : index
    tpu.barrier barrier_id(%barrier3A)
    %scan3A = arith.constant 0 : i32
    %scan3A_4 = arith.constant 0 : i32
    %scan3A_5 = arith.constant 125 : i32
    %scan3A_6 = arith.addi %scan3A_4, %scan3A_5 : i32
    %scan3A_7 = arith.constant 1 : i32
    scf.for %scan3A_10 = %scan3A_4 to %scan3A_6 step %scan3A_7  : i32 {
      %dma_start3A = arith.constant 0 : i32
      %dma_start3A_11 = tpu.memref_slice %arg7[%scan3A_10, %dma_start3A] : memref<125x80xi32, #tpu.memory_space<vmem>> -> memref<1x80xi32, #tpu.memory_space<vmem>>
      %dma_start3A_12 = tpu.memref_squeeze %dma_start3A_11 : memref<1x80xi32, #tpu.memory_space<vmem>> -> memref<80xi32, #tpu.memory_space<vmem>>
      %dma_start3A_13 = arith.constant 0 : i32
      %dma_start3A_14 = arith.constant 0 : i32
      %dma_start3A_15 = tpu.memref_slice %arg2[%dma_start3A_13, %dma_start3A_14] : memref<10000x64xf32, #tpu.memory_space<hbm>> -> memref<10000x64xf32, #tpu.memory_space<hbm>>
      tpu.enqueue_indirect_dma source(%dma_start3A_15 : memref<10000x64xf32, #tpu.memory_space<hbm>>) target(%arg9 : memref<80x64xf32, #tpu.memory_space<vmem>>) offsets(%dma_start3A_12 : memref<80xi32, #tpu.memory_space<vmem>>) semaphore(%arg11 : memref<!tpu.dma_semaphore, #tpu.memory_space<semaphore_mem>>)
      %dma_wait3A = arith.constant 0 : i32
      %dma_wait3A_16 = tpu.memref_slice %arg7[%scan3A_10, %dma_wait3A] : memref<125x80xi32, #tpu.memory_space<vmem>> -> memref<1x80xi32, #tpu.memory_space<vmem>>
      %dma_wait3A_17 = tpu.memref_squeeze %dma_wait3A_16 : memref<1x80xi32, #tpu.memory_space<vmem>> -> memref<80xi32, #tpu.memory_space<vmem>>
      %dma_wait3A_18 = arith.constant 0 : i32
      %dma_wait3A_19 = arith.constant 0 : i32
      %dma_wait3A_20 = tpu.memref_slice %arg2[%dma_wait3A_18, %dma_wait3A_19] : memref<10000x64xf32, #tpu.memory_space<hbm>> -> memref<10000x64xf32, #tpu.memory_space<hbm>>
      tpu.wait_indirect_dma semaphore(%arg11 : memref<!tpu.dma_semaphore, #tpu.memory_space<semaphore_mem>>) src(%dma_wait3A_20 : memref<10000x64xf32, #tpu.memory_space<hbm>>) dst(%arg9 : memref<80x64xf32, #tpu.memory_space<vmem>>)
      "tpu.region"() ({
        %run_scoped3A = tpu.sem_alloc : memref<!tpu.dma_semaphore, #tpu.memory_space<semaphore_mem>>
        %dma_start3A_21 = arith.constant 0 : i32
        %dma_start3A_22 = tpu.memref_slice %arg8[%scan3A_10, %dma_start3A_21] : memref<125x80xi32, #tpu.memory_space<vmem>> -> memref<1x80xi32, #tpu.memory_space<vmem>>
        %dma_start3A_23 = tpu.memref_squeeze %dma_start3A_22 : memref<1x80xi32, #tpu.memory_space<vmem>> -> memref<80xi32, #tpu.memory_space<vmem>>
        %dma_start3A_24 = arith.constant 0 : i32
        %dma_start3A_25 = arith.constant 0 : i32
        %dma_start3A_26 = tpu.memref_slice %arg10[%dma_start3A_24, %dma_start3A_25] : memref<10000x64xf32, #tpu.memory_space<vmem_shared>> -> memref<10000x64xf32, #tpu.memory_space<vmem_shared>>
        tpu.enqueue_indirect_dma source(%arg9 : memref<80x64xf32, #tpu.memory_space<vmem>>) target(%dma_start3A_26 : memref<10000x64xf32, #tpu.memory_space<vmem_shared>>) offsets(%dma_start3A_23 : memref<80xi32, #tpu.memory_space<vmem>>) semaphore(%run_scoped3A : memref<!tpu.dma_semaphore, #tpu.memory_space<semaphore_mem>>) {add = true}
        %dma_wait3A_27 = arith.constant 0 : i32
        %dma_wait3A_28 = tpu.memref_slice %arg8[%scan3A_10, %dma_wait3A_27] : memref<125x80xi32, #tpu.memory_space<vmem>> -> memref<1x80xi32, #tpu.memory_space<vmem>>
        %dma_wait3A_29 = tpu.memref_squeeze %dma_wait3A_28 : memref<1x80xi32, #tpu.memory_space<vmem>> -> memref<80xi32, #tpu.memory_space<vmem>>
        %dma_wait3A_30 = arith.constant 0 : i32
        %dma_wait3A_31 = arith.constant 0 : i32
        %dma_wait3A_32 = tpu.memref_slice %arg10[%dma_wait3A_30, %dma_wait3A_31] : memref<10000x64xf32, #tpu.memory_space<vmem_shared>> -> memref<10000x64xf32, #tpu.memory_space<vmem_shared>>
        tpu.wait_indirect_dma semaphore(%run_scoped3A : memref<!tpu.dma_semaphore, #tpu.memory_space<semaphore_mem>>) src(%arg9 : memref<80x64xf32, #tpu.memory_space<vmem>>) dst(%dma_wait3A_32 : memref<10000x64xf32, #tpu.memory_space<vmem_shared>>)
        tpu.yield
      }) : () -> ()
    }
    %scan3A_8 = arith.constant 125 : i32
    %barrier3A_9 = arith.constant 0 : index
    tpu.barrier barrier_id(%barrier3A_9)
    "tpu.region"() ({
      %run_scoped3A = tpu.sem_alloc : memref<!tpu.dma_semaphore, #tpu.memory_space<semaphore_mem>>
      %dma_start3A = arith.constant 0 : i32
      %dma_start3A_10 = tpu.memref_slice %arg6[%arg0, %min3A_3, %dma_start3A] : memref<2x10000x64xf32, #tpu.memory_space<hbm>> -> memref<1x632x64xf32, #tpu.memory_space<hbm>>
      %dma_start3A_11 = tpu.memref_squeeze %dma_start3A_10 : memref<1x632x64xf32, #tpu.memory_space<hbm>> -> memref<632x64xf32, #tpu.memory_space<hbm>>
      %dma_start3A_12 = arith.constant 0 : i32
      %dma_start3A_13 = tpu.memref_slice %arg10[%min3A_3, %dma_start3A_12] : memref<10000x64xf32, #tpu.memory_space<vmem_shared>> -> memref<632x64xf32, #tpu.memory_space<vmem_shared>>
      tpu.enqueue_dma source(%dma_start3A_13 : memref<632x64xf32, #tpu.memory_space<vmem_shared>>) target(%dma_start3A_11 : memref<632x64xf32, #tpu.memory_space<hbm>>) target_semaphore(%run_scoped3A : memref<!tpu.dma_semaphore, #tpu.memory_space<semaphore_mem>>)
      %dma_wait3A = arith.constant 0 : i32
      %dma_wait3A_14 = tpu.memref_slice %arg6[%arg0, %min3A_3, %dma_wait3A] : memref<2x10000x64xf32, #tpu.memory_space<hbm>> -> memref<1x632x64xf32, #tpu.memory_space<hbm>>
      %dma_wait3A_15 = tpu.memref_squeeze %dma_wait3A_14 : memref<1x632x64xf32, #tpu.memory_space<hbm>> -> memref<632x64xf32, #tpu.memory_space<hbm>>
      %dma_wait3A_16 = arith.constant 0 : i32
      %dma_wait3A_17 = tpu.memref_slice %arg10[%min3A_3, %dma_wait3A_16] : memref<10000x64xf32, #tpu.memory_space<vmem_shared>> -> memref<632x64xf32, #tpu.memory_space<vmem_shared>>
      tpu.wait_dma2 semaphore(%run_scoped3A : memref<!tpu.dma_semaphore, #tpu.memory_space<semaphore_mem>>) src(%dma_wait3A_17 : memref<632x64xf32, #tpu.memory_space<vmem_shared>>) dst(%dma_wait3A_15 : memref<632x64xf32, #tpu.memory_space<hbm>>)
      tpu.yield
    }) : () -> ()
    return
  }
}

#map = affine_map<(d0, d1) -> (0, 0)>
#map1 = affine_map<(d0, d1) -> (0, 0, 0)>
module attributes {stable_mosaic.version = 14 : i64} {
  func.func @k(%arg0: i32, %arg1: i32, %arg2: memref<10000x32xf32, #tpu.memory_space<hbm>>, %arg3: memref<32x125x80xi32, #tpu.memory_space<hbm>>, %arg4: memref<32x125x80xi32, #tpu.memory_space<hbm>>, %arg5: memref<632x32xf32, #tpu.memory_space<hbm>>, %arg6: memref<2x10000x32xf32, #tpu.memory_space<hbm>>, %arg7: memref<125x80xi32, #tpu.memory_space<vmem>>, %arg8: memref<125x80xi32, #tpu.memory_space<vmem>>, %arg9: memref<80x32xf32, #tpu.memory_space<vmem>>, %arg10: memref<10000x32xf32, #tpu.memory_space<vmem_shared>>, %arg11: memref<!tpu.dma_semaphore, #tpu.memory_space<semaphore_mem>>) attributes {dimension_semantics = [#tpu.dimension_semantics<core_parallel>, #tpu.dimension_semantics<subcore_parallel>], iteration_bounds = array<i64: 2, 16>, scalar_prefetch = 0 : i64, scratch_operands = 5 : i64, tpu.core_type = #tpu.core_type<sc_vector_subcore>, window_params = [{transform_indices = #map}, {transform_indices = #map1}, {transform_indices = #map1}, {transform_indices = #map}, {transform_indices = #map1}]} {
    %mul3A = arith.constant 2 : i32
    %mul3A_0 = arith.muli %arg1, %mul3A : i32
    %add3A = arith.addi %mul3A_0, %arg0 : i32
    "tpu.region"() ({
      %run_scoped3A = tpu.sem_alloc : memref<!tpu.dma_semaphore, #tpu.memory_space<semaphore_mem>>
      %dma_start3A = arith.constant 0 : i32
      %dma_start3A_10 = arith.constant 0 : i32
      %dma_start3A_11 = tpu.memref_slice %arg3[%add3A, %dma_start3A, %dma_start3A_10] : memref<32x125x80xi32, #tpu.memory_space<hbm>> -> memref<1x125x80xi32, #tpu.memory_space<hbm>>
      %dma_start3A_12 = tpu.memref_squeeze %dma_start3A_11 : memref<1x125x80xi32, #tpu.memory_space<hbm>> -> memref<125x80xi32, #tpu.memory_space<hbm>>
      %dma_start3A_13 = arith.constant 0 : i32
      %dma_start3A_14 = arith.constant 0 : i32
      %dma_start3A_15 = tpu.memref_slice %arg3[%add3A, %dma_start3A_13, %dma_start3A_14] : memref<32x125x80xi32, #tpu.memory_space<hbm>> -> memref<1x125x80xi32, #tpu.memory_space<hbm>>
      %dma_start3A_16 = tpu.memref_squeeze %dma_start3A_15 : memref<1x125x80xi32, #tpu.memory_space<hbm>> -> memref<125x80xi32, #tpu.memory_space<hbm>>
      tpu.enqueue_dma source(%dma_start3A_16 : memref<125x80xi32, #tpu.memory_space<hbm>>) target(%arg7 : memref<125x80xi32, #tpu.memory_space<vmem>>) target_semaphore(%run_scoped3A : memref<!tpu.dma_semaphore, #tpu.memory_space<semaphore_mem>>)
      %dma_wait3A = arith.constant 0 : i32
      %dma_wait3A_17 = arith.constant 0 : i32
      %dma_wait3A_18 = tpu.memref_slice %arg3[%add3A, %dma_wait3A, %dma_wait3A_17] : memref<32x125x80xi32, #tpu.memory_space<hbm>> -> memref<1x125x80xi32, #tpu.memory_space<hbm>>
      %dma_wait3A_19 = tpu.memref_squeeze %dma_wait3A_18 : memref<1x125x80xi32, #tpu.memory_space<hbm>> -> memref<125x80xi32, #tpu.memory_space<hbm>>
      %dma_wait3A_20 = arith.constant 0 : i32
      %dma_wait3A_21 = arith.constant 0 : i32
      %dma_wait3A_22 = tpu.memref_slice %arg3[%add3A, %dma_wait3A_20, %dma_wait3A_21] : memref<32x125x80xi32, #tpu.memory_space<hbm>> -> memref<1x125x80xi32, #tpu.memory_space<hbm>>
      %dma_wait3A_23 = tpu.memref_squeeze %dma_wait3A_22 : memref<1x125x80xi32, #tpu.memory_space<hbm>> -> memref<125x80xi32, #tpu.memory_space<hbm>>
      tpu.wait_dma2 semaphore(%run_scoped3A : memref<!tpu.dma_semaphore, #tpu.memory_space<semaphore_mem>>) src(%dma_wait3A_23 : memref<125x80xi32, #tpu.memory_space<hbm>>) dst(%arg7 : memref<125x80xi32, #tpu.memory_space<vmem>>)
      tpu.yield
    }) : () -> ()
    "tpu.region"() ({
      %run_scoped3A = tpu.sem_alloc : memref<!tpu.dma_semaphore, #tpu.memory_space<semaphore_mem>>
      %dma_start3A = arith.constant 0 : i32
      %dma_start3A_10 = arith.constant 0 : i32
      %dma_start3A_11 = tpu.memref_slice %arg4[%add3A, %dma_start3A, %dma_start3A_10] : memref<32x125x80xi32, #tpu.memory_space<hbm>> -> memref<1x125x80xi32, #tpu.memory_space<hbm>>
      %dma_start3A_12 = tpu.memref_squeeze %dma_start3A_11 : memref<1x125x80xi32, #tpu.memory_space<hbm>> -> memref<125x80xi32, #tpu.memory_space<hbm>>
      %dma_start3A_13 = arith.constant 0 : i32
      %dma_start3A_14 = arith.constant 0 : i32
      %dma_start3A_15 = tpu.memref_slice %arg4[%add3A, %dma_start3A_13, %dma_start3A_14] : memref<32x125x80xi32, #tpu.memory_space<hbm>> -> memref<1x125x80xi32, #tpu.memory_space<hbm>>
      %dma_start3A_16 = tpu.memref_squeeze %dma_start3A_15 : memref<1x125x80xi32, #tpu.memory_space<hbm>> -> memref<125x80xi32, #tpu.memory_space<hbm>>
      tpu.enqueue_dma source(%dma_start3A_16 : memref<125x80xi32, #tpu.memory_space<hbm>>) target(%arg8 : memref<125x80xi32, #tpu.memory_space<vmem>>) target_semaphore(%run_scoped3A : memref<!tpu.dma_semaphore, #tpu.memory_space<semaphore_mem>>)
      %dma_wait3A = arith.constant 0 : i32
      %dma_wait3A_17 = arith.constant 0 : i32
      %dma_wait3A_18 = tpu.memref_slice %arg4[%add3A, %dma_wait3A, %dma_wait3A_17] : memref<32x125x80xi32, #tpu.memory_space<hbm>> -> memref<1x125x80xi32, #tpu.memory_space<hbm>>
      %dma_wait3A_19 = tpu.memref_squeeze %dma_wait3A_18 : memref<1x125x80xi32, #tpu.memory_space<hbm>> -> memref<125x80xi32, #tpu.memory_space<hbm>>
      %dma_wait3A_20 = arith.constant 0 : i32
      %dma_wait3A_21 = arith.constant 0 : i32
      %dma_wait3A_22 = tpu.memref_slice %arg4[%add3A, %dma_wait3A_20, %dma_wait3A_21] : memref<32x125x80xi32, #tpu.memory_space<hbm>> -> memref<1x125x80xi32, #tpu.memory_space<hbm>>
      %dma_wait3A_23 = tpu.memref_squeeze %dma_wait3A_22 : memref<1x125x80xi32, #tpu.memory_space<hbm>> -> memref<125x80xi32, #tpu.memory_space<hbm>>
      tpu.wait_dma2 semaphore(%run_scoped3A : memref<!tpu.dma_semaphore, #tpu.memory_space<semaphore_mem>>) src(%dma_wait3A_23 : memref<125x80xi32, #tpu.memory_space<hbm>>) dst(%arg8 : memref<125x80xi32, #tpu.memory_space<vmem>>)
      tpu.yield
    }) : () -> ()
    %mul3A_1 = arith.constant 632 : i32
    %mul3A_2 = arith.muli %arg1, %mul3A_1 : i32
    %min3A = arith.constant 9368 : i32
    %min3A_3 = arith.minsi %mul3A_2, %min3A : i32
    "tpu.region"() ({
      %run_scoped3A = tpu.sem_alloc : memref<!tpu.dma_semaphore, #tpu.memory_space<semaphore_mem>>
      %dma_start3A = arith.constant 0 : i32
      %dma_start3A_10 = tpu.memref_slice %arg10[%min3A_3, %dma_start3A] : memref<10000x32xf32, #tpu.memory_space<vmem_shared>> -> memref<632x32xf32, #tpu.memory_space<vmem_shared>>
      tpu.enqueue_dma source(%arg5 : memref<632x32xf32, #tpu.memory_space<hbm>>) target(%dma_start3A_10 : memref<632x32xf32, #tpu.memory_space<vmem_shared>>) target_semaphore(%run_scoped3A : memref<!tpu.dma_semaphore, #tpu.memory_space<semaphore_mem>>)
      %dma_wait3A = arith.constant 0 : i32
      %dma_wait3A_11 = tpu.memref_slice %arg10[%min3A_3, %dma_wait3A] : memref<10000x32xf32, #tpu.memory_space<vmem_shared>> -> memref<632x32xf32, #tpu.memory_space<vmem_shared>>
      tpu.wait_dma2 semaphore(%run_scoped3A : memref<!tpu.dma_semaphore, #tpu.memory_space<semaphore_mem>>) src(%arg5 : memref<632x32xf32, #tpu.memory_space<hbm>>) dst(%dma_wait3A_11 : memref<632x32xf32, #tpu.memory_space<vmem_shared>>)
      tpu.yield
    }) : () -> ()
    %barrier3A = arith.constant 0 : index
    tpu.barrier barrier_id(%barrier3A)
    %scan3A = arith.constant 0 : i32
    %scan3A_4 = arith.constant 0 : i32
    %scan3A_5 = arith.constant 125 : i32
    %scan3A_6 = arith.addi %scan3A_4, %scan3A_5 : i32
    %scan3A_7 = arith.constant 1 : i32
    scf.for %scan3A_10 = %scan3A_4 to %scan3A_6 step %scan3A_7  : i32 {
      %dma_start3A = arith.constant 0 : i32
      %dma_start3A_11 = tpu.memref_slice %arg7[%scan3A_10, %dma_start3A] : memref<125x80xi32, #tpu.memory_space<vmem>> -> memref<1x80xi32, #tpu.memory_space<vmem>>
      %dma_start3A_12 = tpu.memref_squeeze %dma_start3A_11 : memref<1x80xi32, #tpu.memory_space<vmem>> -> memref<80xi32, #tpu.memory_space<vmem>>
      %dma_start3A_13 = arith.constant 0 : i32
      %dma_start3A_14 = arith.constant 0 : i32
      %dma_start3A_15 = tpu.memref_slice %arg2[%dma_start3A_13, %dma_start3A_14] : memref<10000x32xf32, #tpu.memory_space<hbm>> -> memref<10000x32xf32, #tpu.memory_space<hbm>>
      tpu.enqueue_indirect_dma source(%dma_start3A_15 : memref<10000x32xf32, #tpu.memory_space<hbm>>) target(%arg9 : memref<80x32xf32, #tpu.memory_space<vmem>>) offsets(%dma_start3A_12 : memref<80xi32, #tpu.memory_space<vmem>>) semaphore(%arg11 : memref<!tpu.dma_semaphore, #tpu.memory_space<semaphore_mem>>)
      %dma_wait3A = arith.constant 0 : i32
      %dma_wait3A_16 = tpu.memref_slice %arg7[%scan3A_10, %dma_wait3A] : memref<125x80xi32, #tpu.memory_space<vmem>> -> memref<1x80xi32, #tpu.memory_space<vmem>>
      %dma_wait3A_17 = tpu.memref_squeeze %dma_wait3A_16 : memref<1x80xi32, #tpu.memory_space<vmem>> -> memref<80xi32, #tpu.memory_space<vmem>>
      %dma_wait3A_18 = arith.constant 0 : i32
      %dma_wait3A_19 = arith.constant 0 : i32
      %dma_wait3A_20 = tpu.memref_slice %arg2[%dma_wait3A_18, %dma_wait3A_19] : memref<10000x32xf32, #tpu.memory_space<hbm>> -> memref<10000x32xf32, #tpu.memory_space<hbm>>
      tpu.wait_indirect_dma semaphore(%arg11 : memref<!tpu.dma_semaphore, #tpu.memory_space<semaphore_mem>>) src(%dma_wait3A_20 : memref<10000x32xf32, #tpu.memory_space<hbm>>) dst(%arg9 : memref<80x32xf32, #tpu.memory_space<vmem>>)
      "tpu.region"() ({
        %run_scoped3A = tpu.sem_alloc : memref<!tpu.dma_semaphore, #tpu.memory_space<semaphore_mem>>
        %dma_start3A_21 = arith.constant 0 : i32
        %dma_start3A_22 = tpu.memref_slice %arg8[%scan3A_10, %dma_start3A_21] : memref<125x80xi32, #tpu.memory_space<vmem>> -> memref<1x80xi32, #tpu.memory_space<vmem>>
        %dma_start3A_23 = tpu.memref_squeeze %dma_start3A_22 : memref<1x80xi32, #tpu.memory_space<vmem>> -> memref<80xi32, #tpu.memory_space<vmem>>
        %dma_start3A_24 = arith.constant 0 : i32
        %dma_start3A_25 = arith.constant 0 : i32
        %dma_start3A_26 = tpu.memref_slice %arg10[%dma_start3A_24, %dma_start3A_25] : memref<10000x32xf32, #tpu.memory_space<vmem_shared>> -> memref<10000x32xf32, #tpu.memory_space<vmem_shared>>
        tpu.enqueue_indirect_dma source(%arg9 : memref<80x32xf32, #tpu.memory_space<vmem>>) target(%dma_start3A_26 : memref<10000x32xf32, #tpu.memory_space<vmem_shared>>) offsets(%dma_start3A_23 : memref<80xi32, #tpu.memory_space<vmem>>) semaphore(%run_scoped3A : memref<!tpu.dma_semaphore, #tpu.memory_space<semaphore_mem>>) {add = true}
        %dma_wait3A_27 = arith.constant 0 : i32
        %dma_wait3A_28 = tpu.memref_slice %arg8[%scan3A_10, %dma_wait3A_27] : memref<125x80xi32, #tpu.memory_space<vmem>> -> memref<1x80xi32, #tpu.memory_space<vmem>>
        %dma_wait3A_29 = tpu.memref_squeeze %dma_wait3A_28 : memref<1x80xi32, #tpu.memory_space<vmem>> -> memref<80xi32, #tpu.memory_space<vmem>>
        %dma_wait3A_30 = arith.constant 0 : i32
        %dma_wait3A_31 = arith.constant 0 : i32
        %dma_wait3A_32 = tpu.memref_slice %arg10[%dma_wait3A_30, %dma_wait3A_31] : memref<10000x32xf32, #tpu.memory_space<vmem_shared>> -> memref<10000x32xf32, #tpu.memory_space<vmem_shared>>
        tpu.wait_indirect_dma semaphore(%run_scoped3A : memref<!tpu.dma_semaphore, #tpu.memory_space<semaphore_mem>>) src(%arg9 : memref<80x32xf32, #tpu.memory_space<vmem>>) dst(%dma_wait3A_32 : memref<10000x32xf32, #tpu.memory_space<vmem_shared>>)
        tpu.yield
      }) : () -> ()
    }
    %scan3A_8 = arith.constant 125 : i32
    %barrier3A_9 = arith.constant 0 : index
    tpu.barrier barrier_id(%barrier3A_9)
    "tpu.region"() ({
      %run_scoped3A = tpu.sem_alloc : memref<!tpu.dma_semaphore, #tpu.memory_space<semaphore_mem>>
      %dma_start3A = arith.constant 0 : i32
      %dma_start3A_10 = tpu.memref_slice %arg6[%arg0, %min3A_3, %dma_start3A] : memref<2x10000x32xf32, #tpu.memory_space<hbm>> -> memref<1x632x32xf32, #tpu.memory_space<hbm>>
      %dma_start3A_11 = tpu.memref_squeeze %dma_start3A_10 : memref<1x632x32xf32, #tpu.memory_space<hbm>> -> memref<632x32xf32, #tpu.memory_space<hbm>>
      %dma_start3A_12 = arith.constant 0 : i32
      %dma_start3A_13 = tpu.memref_slice %arg10[%min3A_3, %dma_start3A_12] : memref<10000x32xf32, #tpu.memory_space<vmem_shared>> -> memref<632x32xf32, #tpu.memory_space<vmem_shared>>
      tpu.enqueue_dma source(%dma_start3A_13 : memref<632x32xf32, #tpu.memory_space<vmem_shared>>) target(%dma_start3A_11 : memref<632x32xf32, #tpu.memory_space<hbm>>) target_semaphore(%run_scoped3A : memref<!tpu.dma_semaphore, #tpu.memory_space<semaphore_mem>>)
      %dma_wait3A = arith.constant 0 : i32
      %dma_wait3A_14 = tpu.memref_slice %arg6[%arg0, %min3A_3, %dma_wait3A] : memref<2x10000x32xf32, #tpu.memory_space<hbm>> -> memref<1x632x32xf32, #tpu.memory_space<hbm>>
      %dma_wait3A_15 = tpu.memref_squeeze %dma_wait3A_14 : memref<1x632x32xf32, #tpu.memory_space<hbm>> -> memref<632x32xf32, #tpu.memory_space<hbm>>
      %dma_wait3A_16 = arith.constant 0 : i32
      %dma_wait3A_17 = tpu.memref_slice %arg10[%min3A_3, %dma_wait3A_16] : memref<10000x32xf32, #tpu.memory_space<vmem_shared>> -> memref<632x32xf32, #tpu.memory_space<vmem_shared>>
      tpu.wait_dma2 semaphore(%run_scoped3A : memref<!tpu.dma_semaphore, #tpu.memory_space<semaphore_mem>>) src(%dma_wait3A_17 : memref<632x32xf32, #tpu.memory_space<vmem_shared>>) dst(%dma_wait3A_15 : memref<632x32xf32, #tpu.memory_space<hbm>>)
      tpu.yield
    }) : () -> ()
    return
  }
}

#map = affine_map<(d0, d1) -> (0, 0)>
#map1 = affine_map<(d0, d1) -> (0, 0, 0)>
module attributes {stable_mosaic.version = 14 : i64} {
  func.func @k(%arg0: i32, %arg1: i32, %arg2: memref<8x8xf32, #tpu.memory_space<hbm>>, %arg3: memref<32x125x80xi32, #tpu.memory_space<hbm>>, %arg4: memref<32x125x80xi32, #tpu.memory_space<hbm>>, %arg5: memref<632x8xf32, #tpu.memory_space<hbm>>, %arg6: memref<2x10000x8xf32, #tpu.memory_space<hbm>>, %arg7: memref<125x80xi32, #tpu.memory_space<vmem>>, %arg8: memref<125x80xi32, #tpu.memory_space<vmem>>, %arg9: memref<80x8xf32, #tpu.memory_space<vmem>>, %arg10: memref<10000x8xf32, #tpu.memory_space<vmem_shared>>, %arg11: memref<!tpu.dma_semaphore, #tpu.memory_space<semaphore_mem>>) attributes {dimension_semantics = [#tpu.dimension_semantics<core_parallel>, #tpu.dimension_semantics<subcore_parallel>], iteration_bounds = array<i64: 2, 16>, scalar_prefetch = 0 : i64, scratch_operands = 5 : i64, tpu.core_type = #tpu.core_type<sc_vector_subcore>, window_params = [{transform_indices = #map}, {transform_indices = #map1}, {transform_indices = #map1}, {transform_indices = #map}, {transform_indices = #map1}]} {
    %mul3A = arith.constant 2 : i32
    %mul3A_0 = arith.muli %arg1, %mul3A : i32
    %add3A = arith.addi %mul3A_0, %arg0 : i32
    "tpu.region"() ({
      %run_scoped3A = tpu.sem_alloc : memref<!tpu.dma_semaphore, #tpu.memory_space<semaphore_mem>>
      %dma_start3A = arith.constant 0 : i32
      %dma_start3A_10 = arith.constant 0 : i32
      %dma_start3A_11 = tpu.memref_slice %arg3[%add3A, %dma_start3A, %dma_start3A_10] : memref<32x125x80xi32, #tpu.memory_space<hbm>> -> memref<1x125x80xi32, #tpu.memory_space<hbm>>
      %dma_start3A_12 = tpu.memref_squeeze %dma_start3A_11 : memref<1x125x80xi32, #tpu.memory_space<hbm>> -> memref<125x80xi32, #tpu.memory_space<hbm>>
      %dma_start3A_13 = arith.constant 0 : i32
      %dma_start3A_14 = arith.constant 0 : i32
      %dma_start3A_15 = tpu.memref_slice %arg3[%add3A, %dma_start3A_13, %dma_start3A_14] : memref<32x125x80xi32, #tpu.memory_space<hbm>> -> memref<1x125x80xi32, #tpu.memory_space<hbm>>
      %dma_start3A_16 = tpu.memref_squeeze %dma_start3A_15 : memref<1x125x80xi32, #tpu.memory_space<hbm>> -> memref<125x80xi32, #tpu.memory_space<hbm>>
      tpu.enqueue_dma source(%dma_start3A_16 : memref<125x80xi32, #tpu.memory_space<hbm>>) target(%arg7 : memref<125x80xi32, #tpu.memory_space<vmem>>) target_semaphore(%run_scoped3A : memref<!tpu.dma_semaphore, #tpu.memory_space<semaphore_mem>>)
      %dma_wait3A = arith.constant 0 : i32
      %dma_wait3A_17 = arith.constant 0 : i32
      %dma_wait3A_18 = tpu.memref_slice %arg3[%add3A, %dma_wait3A, %dma_wait3A_17] : memref<32x125x80xi32, #tpu.memory_space<hbm>> -> memref<1x125x80xi32, #tpu.memory_space<hbm>>
      %dma_wait3A_19 = tpu.memref_squeeze %dma_wait3A_18 : memref<1x125x80xi32, #tpu.memory_space<hbm>> -> memref<125x80xi32, #tpu.memory_space<hbm>>
      %dma_wait3A_20 = arith.constant 0 : i32
      %dma_wait3A_21 = arith.constant 0 : i32
      %dma_wait3A_22 = tpu.memref_slice %arg3[%add3A, %dma_wait3A_20, %dma_wait3A_21] : memref<32x125x80xi32, #tpu.memory_space<hbm>> -> memref<1x125x80xi32, #tpu.memory_space<hbm>>
      %dma_wait3A_23 = tpu.memref_squeeze %dma_wait3A_22 : memref<1x125x80xi32, #tpu.memory_space<hbm>> -> memref<125x80xi32, #tpu.memory_space<hbm>>
      tpu.wait_dma2 semaphore(%run_scoped3A : memref<!tpu.dma_semaphore, #tpu.memory_space<semaphore_mem>>) src(%dma_wait3A_23 : memref<125x80xi32, #tpu.memory_space<hbm>>) dst(%arg7 : memref<125x80xi32, #tpu.memory_space<vmem>>)
      tpu.yield
    }) : () -> ()
    "tpu.region"() ({
      %run_scoped3A = tpu.sem_alloc : memref<!tpu.dma_semaphore, #tpu.memory_space<semaphore_mem>>
      %dma_start3A = arith.constant 0 : i32
      %dma_start3A_10 = arith.constant 0 : i32
      %dma_start3A_11 = tpu.memref_slice %arg4[%add3A, %dma_start3A, %dma_start3A_10] : memref<32x125x80xi32, #tpu.memory_space<hbm>> -> memref<1x125x80xi32, #tpu.memory_space<hbm>>
      %dma_start3A_12 = tpu.memref_squeeze %dma_start3A_11 : memref<1x125x80xi32, #tpu.memory_space<hbm>> -> memref<125x80xi32, #tpu.memory_space<hbm>>
      %dma_start3A_13 = arith.constant 0 : i32
      %dma_start3A_14 = arith.constant 0 : i32
      %dma_start3A_15 = tpu.memref_slice %arg4[%add3A, %dma_start3A_13, %dma_start3A_14] : memref<32x125x80xi32, #tpu.memory_space<hbm>> -> memref<1x125x80xi32, #tpu.memory_space<hbm>>
      %dma_start3A_16 = tpu.memref_squeeze %dma_start3A_15 : memref<1x125x80xi32, #tpu.memory_space<hbm>> -> memref<125x80xi32, #tpu.memory_space<hbm>>
      tpu.enqueue_dma source(%dma_start3A_16 : memref<125x80xi32, #tpu.memory_space<hbm>>) target(%arg8 : memref<125x80xi32, #tpu.memory_space<vmem>>) target_semaphore(%run_scoped3A : memref<!tpu.dma_semaphore, #tpu.memory_space<semaphore_mem>>)
      %dma_wait3A = arith.constant 0 : i32
      %dma_wait3A_17 = arith.constant 0 : i32
      %dma_wait3A_18 = tpu.memref_slice %arg4[%add3A, %dma_wait3A, %dma_wait3A_17] : memref<32x125x80xi32, #tpu.memory_space<hbm>> -> memref<1x125x80xi32, #tpu.memory_space<hbm>>
      %dma_wait3A_19 = tpu.memref_squeeze %dma_wait3A_18 : memref<1x125x80xi32, #tpu.memory_space<hbm>> -> memref<125x80xi32, #tpu.memory_space<hbm>>
      %dma_wait3A_20 = arith.constant 0 : i32
      %dma_wait3A_21 = arith.constant 0 : i32
      %dma_wait3A_22 = tpu.memref_slice %arg4[%add3A, %dma_wait3A_20, %dma_wait3A_21] : memref<32x125x80xi32, #tpu.memory_space<hbm>> -> memref<1x125x80xi32, #tpu.memory_space<hbm>>
      %dma_wait3A_23 = tpu.memref_squeeze %dma_wait3A_22 : memref<1x125x80xi32, #tpu.memory_space<hbm>> -> memref<125x80xi32, #tpu.memory_space<hbm>>
      tpu.wait_dma2 semaphore(%run_scoped3A : memref<!tpu.dma_semaphore, #tpu.memory_space<semaphore_mem>>) src(%dma_wait3A_23 : memref<125x80xi32, #tpu.memory_space<hbm>>) dst(%arg8 : memref<125x80xi32, #tpu.memory_space<vmem>>)
      tpu.yield
    }) : () -> ()
    %mul3A_1 = arith.constant 632 : i32
    %mul3A_2 = arith.muli %arg1, %mul3A_1 : i32
    %min3A = arith.constant 9368 : i32
    %min3A_3 = arith.minsi %mul3A_2, %min3A : i32
    "tpu.region"() ({
      %run_scoped3A = tpu.sem_alloc : memref<!tpu.dma_semaphore, #tpu.memory_space<semaphore_mem>>
      %dma_start3A = arith.constant 0 : i32
      %dma_start3A_10 = tpu.memref_slice %arg10[%min3A_3, %dma_start3A] : memref<10000x8xf32, #tpu.memory_space<vmem_shared>> -> memref<632x8xf32, #tpu.memory_space<vmem_shared>>
      tpu.enqueue_dma source(%arg5 : memref<632x8xf32, #tpu.memory_space<hbm>>) target(%dma_start3A_10 : memref<632x8xf32, #tpu.memory_space<vmem_shared>>) target_semaphore(%run_scoped3A : memref<!tpu.dma_semaphore, #tpu.memory_space<semaphore_mem>>)
      %dma_wait3A = arith.constant 0 : i32
      %dma_wait3A_11 = tpu.memref_slice %arg10[%min3A_3, %dma_wait3A] : memref<10000x8xf32, #tpu.memory_space<vmem_shared>> -> memref<632x8xf32, #tpu.memory_space<vmem_shared>>
      tpu.wait_dma2 semaphore(%run_scoped3A : memref<!tpu.dma_semaphore, #tpu.memory_space<semaphore_mem>>) src(%arg5 : memref<632x8xf32, #tpu.memory_space<hbm>>) dst(%dma_wait3A_11 : memref<632x8xf32, #tpu.memory_space<vmem_shared>>)
      tpu.yield
    }) : () -> ()
    %barrier3A = arith.constant 0 : index
    tpu.barrier barrier_id(%barrier3A)
    %scan3A = arith.constant 0 : i32
    %scan3A_4 = arith.constant 0 : i32
    %scan3A_5 = arith.constant 125 : i32
    %scan3A_6 = arith.addi %scan3A_4, %scan3A_5 : i32
    %scan3A_7 = arith.constant 1 : i32
    scf.for %scan3A_10 = %scan3A_4 to %scan3A_6 step %scan3A_7  : i32 {
      %dma_start3A = arith.constant 0 : i32
      %dma_start3A_11 = tpu.memref_slice %arg7[%scan3A_10, %dma_start3A] : memref<125x80xi32, #tpu.memory_space<vmem>> -> memref<1x80xi32, #tpu.memory_space<vmem>>
      %dma_start3A_12 = tpu.memref_squeeze %dma_start3A_11 : memref<1x80xi32, #tpu.memory_space<vmem>> -> memref<80xi32, #tpu.memory_space<vmem>>
      %dma_start3A_13 = arith.constant 0 : i32
      %dma_start3A_14 = arith.constant 0 : i32
      %dma_start3A_15 = tpu.memref_slice %arg2[%dma_start3A_13, %dma_start3A_14] : memref<8x8xf32, #tpu.memory_space<hbm>> -> memref<8x8xf32, #tpu.memory_space<hbm>>
      tpu.enqueue_indirect_dma source(%dma_start3A_15 : memref<8x8xf32, #tpu.memory_space<hbm>>) target(%arg9 : memref<80x8xf32, #tpu.memory_space<vmem>>) offsets(%dma_start3A_12 : memref<80xi32, #tpu.memory_space<vmem>>) semaphore(%arg11 : memref<!tpu.dma_semaphore, #tpu.memory_space<semaphore_mem>>)
      %dma_wait3A = arith.constant 0 : i32
      %dma_wait3A_16 = tpu.memref_slice %arg7[%scan3A_10, %dma_wait3A] : memref<125x80xi32, #tpu.memory_space<vmem>> -> memref<1x80xi32, #tpu.memory_space<vmem>>
      %dma_wait3A_17 = tpu.memref_squeeze %dma_wait3A_16 : memref<1x80xi32, #tpu.memory_space<vmem>> -> memref<80xi32, #tpu.memory_space<vmem>>
      %dma_wait3A_18 = arith.constant 0 : i32
      %dma_wait3A_19 = arith.constant 0 : i32
      %dma_wait3A_20 = tpu.memref_slice %arg2[%dma_wait3A_18, %dma_wait3A_19] : memref<8x8xf32, #tpu.memory_space<hbm>> -> memref<8x8xf32, #tpu.memory_space<hbm>>
      tpu.wait_indirect_dma semaphore(%arg11 : memref<!tpu.dma_semaphore, #tpu.memory_space<semaphore_mem>>) src(%dma_wait3A_20 : memref<8x8xf32, #tpu.memory_space<hbm>>) dst(%arg9 : memref<80x8xf32, #tpu.memory_space<vmem>>)
      "tpu.region"() ({
        %run_scoped3A = tpu.sem_alloc : memref<!tpu.dma_semaphore, #tpu.memory_space<semaphore_mem>>
        %dma_start3A_21 = arith.constant 0 : i32
        %dma_start3A_22 = tpu.memref_slice %arg8[%scan3A_10, %dma_start3A_21] : memref<125x80xi32, #tpu.memory_space<vmem>> -> memref<1x80xi32, #tpu.memory_space<vmem>>
        %dma_start3A_23 = tpu.memref_squeeze %dma_start3A_22 : memref<1x80xi32, #tpu.memory_space<vmem>> -> memref<80xi32, #tpu.memory_space<vmem>>
        %dma_start3A_24 = arith.constant 0 : i32
        %dma_start3A_25 = arith.constant 0 : i32
        %dma_start3A_26 = tpu.memref_slice %arg10[%dma_start3A_24, %dma_start3A_25] : memref<10000x8xf32, #tpu.memory_space<vmem_shared>> -> memref<10000x8xf32, #tpu.memory_space<vmem_shared>>
        tpu.enqueue_indirect_dma source(%arg9 : memref<80x8xf32, #tpu.memory_space<vmem>>) target(%dma_start3A_26 : memref<10000x8xf32, #tpu.memory_space<vmem_shared>>) offsets(%dma_start3A_23 : memref<80xi32, #tpu.memory_space<vmem>>) semaphore(%run_scoped3A : memref<!tpu.dma_semaphore, #tpu.memory_space<semaphore_mem>>) {add = true}
        %dma_wait3A_27 = arith.constant 0 : i32
        %dma_wait3A_28 = tpu.memref_slice %arg8[%scan3A_10, %dma_wait3A_27] : memref<125x80xi32, #tpu.memory_space<vmem>> -> memref<1x80xi32, #tpu.memory_space<vmem>>
        %dma_wait3A_29 = tpu.memref_squeeze %dma_wait3A_28 : memref<1x80xi32, #tpu.memory_space<vmem>> -> memref<80xi32, #tpu.memory_space<vmem>>
        %dma_wait3A_30 = arith.constant 0 : i32
        %dma_wait3A_31 = arith.constant 0 : i32
        %dma_wait3A_32 = tpu.memref_slice %arg10[%dma_wait3A_30, %dma_wait3A_31] : memref<10000x8xf32, #tpu.memory_space<vmem_shared>> -> memref<10000x8xf32, #tpu.memory_space<vmem_shared>>
        tpu.wait_indirect_dma semaphore(%run_scoped3A : memref<!tpu.dma_semaphore, #tpu.memory_space<semaphore_mem>>) src(%arg9 : memref<80x8xf32, #tpu.memory_space<vmem>>) dst(%dma_wait3A_32 : memref<10000x8xf32, #tpu.memory_space<vmem_shared>>)
        tpu.yield
      }) : () -> ()
    }
    %scan3A_8 = arith.constant 125 : i32
    %barrier3A_9 = arith.constant 0 : index
    tpu.barrier barrier_id(%barrier3A_9)
    "tpu.region"() ({
      %run_scoped3A = tpu.sem_alloc : memref<!tpu.dma_semaphore, #tpu.memory_space<semaphore_mem>>
      %dma_start3A = arith.constant 0 : i32
      %dma_start3A_10 = tpu.memref_slice %arg6[%arg0, %min3A_3, %dma_start3A] : memref<2x10000x8xf32, #tpu.memory_space<hbm>> -> memref<1x632x8xf32, #tpu.memory_space<hbm>>
      %dma_start3A_11 = tpu.memref_squeeze %dma_start3A_10 : memref<1x632x8xf32, #tpu.memory_space<hbm>> -> memref<632x8xf32, #tpu.memory_space<hbm>>
      %dma_start3A_12 = arith.constant 0 : i32
      %dma_start3A_13 = tpu.memref_slice %arg10[%min3A_3, %dma_start3A_12] : memref<10000x8xf32, #tpu.memory_space<vmem_shared>> -> memref<632x8xf32, #tpu.memory_space<vmem_shared>>
      tpu.enqueue_dma source(%dma_start3A_13 : memref<632x8xf32, #tpu.memory_space<vmem_shared>>) target(%dma_start3A_11 : memref<632x8xf32, #tpu.memory_space<hbm>>) target_semaphore(%run_scoped3A : memref<!tpu.dma_semaphore, #tpu.memory_space<semaphore_mem>>)
      %dma_wait3A = arith.constant 0 : i32
      %dma_wait3A_14 = tpu.memref_slice %arg6[%arg0, %min3A_3, %dma_wait3A] : memref<2x10000x8xf32, #tpu.memory_space<hbm>> -> memref<1x632x8xf32, #tpu.memory_space<hbm>>
      %dma_wait3A_15 = tpu.memref_squeeze %dma_wait3A_14 : memref<1x632x8xf32, #tpu.memory_space<hbm>> -> memref<632x8xf32, #tpu.memory_space<hbm>>
      %dma_wait3A_16 = arith.constant 0 : i32
      %dma_wait3A_17 = tpu.memref_slice %arg10[%min3A_3, %dma_wait3A_16] : memref<10000x8xf32, #tpu.memory_space<vmem_shared>> -> memref<632x8xf32, #tpu.memory_space<vmem_shared>>
      tpu.wait_dma2 semaphore(%run_scoped3A : memref<!tpu.dma_semaphore, #tpu.memory_space<semaphore_mem>>) src(%dma_wait3A_17 : memref<632x8xf32, #tpu.memory_space<vmem_shared>>) dst(%dma_wait3A_15 : memref<632x8xf32, #tpu.memory_space<hbm>>)
      tpu.yield
    }) : () -> ()
    return
  }
}

module attributes {stable_mosaic.version = 14 : i64} {
  func.func @_tc_stage1_body(%arg0: i32, %arg1: memref<2000x8xf32, #tpu.memory_space<vmem>>, %arg2: memref<2000x8xf32, #tpu.memory_space<vmem>>, %arg3: memref<2000x128xf32, #tpu.memory_space<vmem>>, %arg4: memref<64x128xf32, #tpu.memory_space<vmem>>, %arg5: memref<2000x1xf32, #tpu.memory_space<vmem>>, %arg6: memref<2000x64xf32, #tpu.memory_space<vmem>>) attributes {dimension_semantics = [#tpu.dimension_semantics<arbitrary>], iteration_bounds = array<i64: 5>, scalar_prefetch = 0 : i64, scratch_operands = 0 : i64, tpu.core_type = #tpu.core_type<tc>, window_params = [{transform_indices = @transform_0, window_bounds = array<i64: 2000, 8>}, {transform_indices = @transform_1, window_bounds = array<i64: 2000, 8>}, {transform_indices = @transform_2, window_bounds = array<i64: 2000, 128>}, {pipeline_mode = #tpu.pipeline_mode<synchronous>, transform_indices = @transform_3, window_bounds = array<i64: 64, 128>}, {transform_indices = @transform_4, window_bounds = array<i64: 2000, 1>}, {transform_indices = @transform_5, window_bounds = array<i64: 2000, 64>}]} {
    %get3A = arith.constant 0 : index
    %get3A_0 = arith.constant 0 : index
    %get3A_1 = vector.load %arg1[%get3A, %get3A_0] : memref<2000x8xf32, #tpu.memory_space<vmem>>, vector<2000x1xf32>
    %get3A_2 = arith.constant 0 : index
    %get3A_3 = arith.constant 0 : index
    %get3A_4 = vector.load %arg2[%get3A_2, %get3A_3] : memref<2000x8xf32, #tpu.memory_space<vmem>>, vector<2000x1xf32>
    %add3A = arith.addf %get3A_1, %get3A_4 : vector<2000x1xf32>
    %add3A_5 = arith.constant 1.000000e+00 : f32
    %add3A_6 = vector.broadcast %add3A_5 : f32 to vector<2000x1xf32>
    %add3A_7 = arith.addf %add3A, %add3A_6 : vector<2000x1xf32>
    %rsqrt3A = math.rsqrt %add3A_7 : vector<2000x1xf32>
    %swap3A = arith.constant 0 : index
    %swap3A_8 = arith.constant 0 : index
    %swap3A_9 = vector.load %arg5[%swap3A, %swap3A_8] : memref<2000x1xf32, #tpu.memory_space<vmem>>, vector<2000x1xf32>
    tpu.vector_store %arg5[%swap3A, %swap3A_8], %rsqrt3A {strides = array<i32>} : memref<2000x1xf32, #tpu.memory_space<vmem>>, vector<2000x1xf32>,
    %get3A_10 = arith.constant 0 : index
    %get3A_11 = arith.constant 0 : index
    %get3A_12 = vector.load %arg3[%get3A_10, %get3A_11] : memref<2000x128xf32, #tpu.memory_space<vmem>>, vector<2000x128xf32>
    %get3A_13 = arith.constant 0 : index
    %get3A_14 = arith.constant 0 : index
    %get3A_15 = vector.load %arg4[%get3A_13, %get3A_14] : memref<64x128xf32, #tpu.memory_space<vmem>>, vector<64x128xf32>
    %dot_general3A = arith.constant dense<0.000000e+00> : vector<2000x64xf32>
    %dot_general3A_16 = tpu.matmul %get3A_12, %get3A_15, %dot_general3A {dimension_numbers = #tpu.dot_dimension_numbers<[1], [1], [0], [0], [0, 0, 1, 0], [], []>, transpose_lhs_hint = false} : vector<2000x128xf32>, vector<64x128xf32>, vector<2000x64xf32> -> vector<2000x64xf32>
    %mul3A = vector.broadcast %rsqrt3A : vector<2000x1xf32> to vector<2000x64xf32>
    %mul3A_17 = arith.mulf %mul3A, %dot_general3A_16 : vector<2000x64xf32>
    %swap3A_18 = arith.constant 0 : index
    %swap3A_19 = arith.constant 0 : index
    %swap3A_20 = vector.load %arg6[%swap3A_18, %swap3A_19] : memref<2000x64xf32, #tpu.memory_space<vmem>>, vector<2000x64xf32>
    tpu.vector_store %arg6[%swap3A_18, %swap3A_19], %mul3A_17 {strides = array<i32>} : memref<2000x64xf32, #tpu.memory_space<vmem>>, vector<2000x64xf32>,
    return
  }
  func.func @transform_0(%arg0: i32) -> (i32, i32) {
    %c0_i32 = arith.constant 0 : i32
    %c0_i32_0 = arith.constant 0 : i32
    return %arg0, %c0_i32 : i32, i32
  }
  func.func @transform_1(%arg0: i32) -> (i32, i32) {
    %c0_i32 = arith.constant 0 : i32
    %c0_i32_0 = arith.constant 0 : i32
    return %arg0, %c0_i32 : i32, i32
  }
  func.func @transform_2(%arg0: i32) -> (i32, i32) {
    %c0_i32 = arith.constant 0 : i32
    %c0_i32_0 = arith.constant 0 : i32
    return %arg0, %c0_i32 : i32, i32
  }
  func.func @transform_3(%arg0: i32) -> (i32, i32) {
    %c0_i32 = arith.constant 0 : i32
    %c0_i32_0 = arith.constant 0 : i32
    %c0_i32_1 = arith.constant 0 : i32
    return %c0_i32, %c0_i32_0 : i32, i32
  }
  func.func @transform_4(%arg0: i32) -> (i32, i32) {
    %c0_i32 = arith.constant 0 : i32
    %c0_i32_0 = arith.constant 0 : i32
    return %arg0, %c0_i32 : i32, i32
  }
  func.func @transform_5(%arg0: i32) -> (i32, i32) {
    %c0_i32 = arith.constant 0 : i32
    %c0_i32_0 = arith.constant 0 : i32
    return %arg0, %c0_i32 : i32, i32
  }
}

module attributes {stable_mosaic.version = 14 : i64} {
  func.func @_tc_stage2_body(%arg0: i32, %arg1: memref<2000x64xf32, #tpu.memory_space<vmem>>, %arg2: memref<2000x64xf32, #tpu.memory_space<vmem>>, %arg3: memref<2000x64xf32, #tpu.memory_space<vmem>>, %arg4: memref<2000x1xf32, #tpu.memory_space<vmem>>, %arg5: memref<1x64xf32, #tpu.memory_space<vmem>>, %arg6: memref<32x64xf32, #tpu.memory_space<vmem>>, %arg7: memref<2000x32xf32, #tpu.memory_space<vmem>>) attributes {dimension_semantics = [#tpu.dimension_semantics<arbitrary>], iteration_bounds = array<i64: 5>, scalar_prefetch = 0 : i64, scratch_operands = 0 : i64, tpu.core_type = #tpu.core_type<tc>, window_params = [{transform_indices = @transform_0, window_bounds = array<i64: 2000, 64>}, {transform_indices = @transform_1, window_bounds = array<i64: 2000, 64>}, {transform_indices = @transform_2, window_bounds = array<i64: 2000, 64>}, {transform_indices = @transform_3, window_bounds = array<i64: 2000, 1>}, {pipeline_mode = #tpu.pipeline_mode<synchronous>, transform_indices = @transform_4, window_bounds = array<i64: 1, 64>}, {pipeline_mode = #tpu.pipeline_mode<synchronous>, transform_indices = @transform_5, window_bounds = array<i64: 32, 64>}, {transform_indices = @transform_6, window_bounds = array<i64: 2000, 32>}]} {
    %get3A = arith.constant 0 : index
    %get3A_0 = arith.constant 0 : index
    %get3A_1 = vector.load %arg4[%get3A, %get3A_0] : memref<2000x1xf32, #tpu.memory_space<vmem>>, vector<2000x1xf32>
    %get3A_2 = arith.constant 0 : index
    %get3A_3 = arith.constant 0 : index
    %get3A_4 = vector.load %arg1[%get3A_2, %get3A_3] : memref<2000x64xf32, #tpu.memory_space<vmem>>, vector<2000x64xf32>
    %get3A_5 = arith.constant 0 : index
    %get3A_6 = arith.constant 0 : index
    %get3A_7 = vector.load %arg2[%get3A_5, %get3A_6] : memref<2000x64xf32, #tpu.memory_space<vmem>>, vector<2000x64xf32>
    %add3A = arith.addf %get3A_4, %get3A_7 : vector<2000x64xf32>
    %get3A_8 = arith.constant 0 : index
    %get3A_9 = arith.constant 0 : index
    %get3A_10 = vector.load %arg3[%get3A_8, %get3A_9] : memref<2000x64xf32, #tpu.memory_space<vmem>>, vector<2000x64xf32>
    %add3A_11 = arith.addf %add3A, %get3A_10 : vector<2000x64xf32>
    %mul3A = vector.broadcast %get3A_1 : vector<2000x1xf32> to vector<2000x64xf32>
    %mul3A_12 = arith.mulf %mul3A, %add3A_11 : vector<2000x64xf32>
    %get3A_13 = arith.constant 0 : index
    %get3A_14 = arith.constant 0 : index
    %get3A_15 = vector.load %arg5[%get3A_13, %get3A_14] : memref<1x64xf32, #tpu.memory_space<vmem>>, vector<1x64xf32>
    %add3A_16 = vector.broadcast %get3A_15 : vector<1x64xf32> to vector<2000x64xf32>
    %add3A_17 = arith.addf %mul3A_12, %add3A_16 : vector<2000x64xf32>
    %max3A = arith.constant 0.000000e+00 : f32
    %max3A_18 = vector.broadcast %max3A : f32 to vector<2000x64xf32>
    %max3A_19 = arith.maximumf %add3A_17, %max3A_18 : vector<2000x64xf32>
    %get3A_20 = arith.constant 0 : index
    %get3A_21 = arith.constant 0 : index
    %get3A_22 = vector.load %arg6[%get3A_20, %get3A_21] : memref<32x64xf32, #tpu.memory_space<vmem>>, vector<32x64xf32>
    %dot_general3A = arith.constant dense<0.000000e+00> : vector<2000x32xf32>
    %dot_general3A_23 = tpu.matmul %max3A_19, %get3A_22, %dot_general3A {dimension_numbers = #tpu.dot_dimension_numbers<[1], [1], [0], [0], [0, 0, 1, 0], [], []>, transpose_lhs_hint = false} : vector<2000x64xf32>, vector<32x64xf32>, vector<2000x32xf32> -> vector<2000x32xf32>
    %mul3A_24 = vector.broadcast %get3A_1 : vector<2000x1xf32> to vector<2000x32xf32>
    %mul3A_25 = arith.mulf %mul3A_24, %dot_general3A_23 : vector<2000x32xf32>
    %swap3A = arith.constant 0 : index
    %swap3A_26 = arith.constant 0 : index
    %swap3A_27 = vector.load %arg7[%swap3A, %swap3A_26] : memref<2000x32xf32, #tpu.memory_space<vmem>>, vector<2000x32xf32>
    tpu.vector_store %arg7[%swap3A, %swap3A_26], %mul3A_25 {strides = array<i32>} : memref<2000x32xf32, #tpu.memory_space<vmem>>, vector<2000x32xf32>,
    return
  }
  func.func @transform_0(%arg0: i32) -> (i32, i32) {
    %c0_i32 = arith.constant 0 : i32
    %c0_i32_0 = arith.constant 0 : i32
    return %arg0, %c0_i32 : i32, i32
  }
  func.func @transform_1(%arg0: i32) -> (i32, i32) {
    %c0_i32 = arith.constant 0 : i32
    %c0_i32_0 = arith.constant 0 : i32
    return %arg0, %c0_i32 : i32, i32
  }
  func.func @transform_2(%arg0: i32) -> (i32, i32) {
    %c0_i32 = arith.constant 0 : i32
    %c0_i32_0 = arith.constant 0 : i32
    return %arg0, %c0_i32 : i32, i32
  }
  func.func @transform_3(%arg0: i32) -> (i32, i32) {
    %c0_i32 = arith.constant 0 : i32
    %c0_i32_0 = arith.constant 0 : i32
    return %arg0, %c0_i32 : i32, i32
  }
  func.func @transform_4(%arg0: i32) -> (i32, i32) {
    %c0_i32 = arith.constant 0 : i32
    %c0_i32_0 = arith.constant 0 : i32
    %c0_i32_1 = arith.constant 0 : i32
    return %c0_i32, %c0_i32_0 : i32, i32
  }
  func.func @transform_5(%arg0: i32) -> (i32, i32) {
    %c0_i32 = arith.constant 0 : i32
    %c0_i32_0 = arith.constant 0 : i32
    %c0_i32_1 = arith.constant 0 : i32
    return %c0_i32, %c0_i32_0 : i32, i32
  }
  func.func @transform_6(%arg0: i32) -> (i32, i32) {
    %c0_i32 = arith.constant 0 : i32
    %c0_i32_0 = arith.constant 0 : i32
    return %arg0, %c0_i32 : i32, i32
  }
}

module attributes {stable_mosaic.version = 14 : i64} {
  func.func @_tc_stage3_body(%arg0: i32, %arg1: memref<2000x32xf32, #tpu.memory_space<vmem>>, %arg2: memref<2000x32xf32, #tpu.memory_space<vmem>>, %arg3: memref<2000x32xf32, #tpu.memory_space<vmem>>, %arg4: memref<2000x1xf32, #tpu.memory_space<vmem>>, %arg5: memref<1x32xf32, #tpu.memory_space<vmem>>, %arg6: memref<16x32xf32, #tpu.memory_space<vmem>>, %arg7: memref<1x16xf32, #tpu.memory_space<vmem>>, %arg8: memref<10x16xf32, #tpu.memory_space<vmem>>, %arg9: memref<1x10xf32, #tpu.memory_space<vmem>>, %arg10: memref<2000x10xf32, #tpu.memory_space<vmem>>) attributes {dimension_semantics = [#tpu.dimension_semantics<arbitrary>], iteration_bounds = array<i64: 5>, scalar_prefetch = 0 : i64, scratch_operands = 0 : i64, tpu.core_type = #tpu.core_type<tc>, window_params = [{transform_indices = @transform_0, window_bounds = array<i64: 2000, 32>}, {transform_indices = @transform_1, window_bounds = array<i64: 2000, 32>}, {transform_indices = @transform_2, window_bounds = array<i64: 2000, 32>}, {transform_indices = @transform_3, window_bounds = array<i64: 2000, 1>}, {pipeline_mode = #tpu.pipeline_mode<synchronous>, transform_indices = @transform_4, window_bounds = array<i64: 1, 32>}, {pipeline_mode = #tpu.pipeline_mode<synchronous>, transform_indices = @transform_5, window_bounds = array<i64: 16, 32>}, {pipeline_mode = #tpu.pipeline_mode<synchronous>, transform_indices = @transform_6, window_bounds = array<i64: 1, 16>}, {pipeline_mode = #tpu.pipeline_mode<synchronous>, transform_indices = @transform_7, window_bounds = array<i64: 10, 16>}, {pipeline_mode = #tpu.pipeline_mode<synchronous>, transform_indices = @transform_8, window_bounds = array<i64: 1, 10>}, {transform_indices = @transform_9, window_bounds = array<i64: 2000, 10>}]} {
    %get3A = arith.constant 0 : index
    %get3A_0 = arith.constant 0 : index
    %get3A_1 = vector.load %arg1[%get3A, %get3A_0] : memref<2000x32xf32, #tpu.memory_space<vmem>>, vector<2000x32xf32>
    %get3A_2 = arith.constant 0 : index
    %get3A_3 = arith.constant 0 : index
    %get3A_4 = vector.load %arg2[%get3A_2, %get3A_3] : memref<2000x32xf32, #tpu.memory_space<vmem>>, vector<2000x32xf32>
    %add3A = arith.addf %get3A_1, %get3A_4 : vector<2000x32xf32>
    %get3A_5 = arith.constant 0 : index
    %get3A_6 = arith.constant 0 : index
    %get3A_7 = vector.load %arg3[%get3A_5, %get3A_6] : memref<2000x32xf32, #tpu.memory_space<vmem>>, vector<2000x32xf32>
    %add3A_8 = arith.addf %add3A, %get3A_7 : vector<2000x32xf32>
    %get3A_9 = arith.constant 0 : index
    %get3A_10 = arith.constant 0 : index
    %get3A_11 = vector.load %arg4[%get3A_9, %get3A_10] : memref<2000x1xf32, #tpu.memory_space<vmem>>, vector<2000x1xf32>
    %mul3A = vector.broadcast %get3A_11 : vector<2000x1xf32> to vector<2000x32xf32>
    %mul3A_12 = arith.mulf %mul3A, %add3A_8 : vector<2000x32xf32>
    %get3A_13 = arith.constant 0 : index
    %get3A_14 = arith.constant 0 : index
    %get3A_15 = vector.load %arg5[%get3A_13, %get3A_14] : memref<1x32xf32, #tpu.memory_space<vmem>>, vector<1x32xf32>
    %add3A_16 = vector.broadcast %get3A_15 : vector<1x32xf32> to vector<2000x32xf32>
    %add3A_17 = arith.addf %mul3A_12, %add3A_16 : vector<2000x32xf32>
    %max3A = arith.constant 0.000000e+00 : f32
    %max3A_18 = vector.broadcast %max3A : f32 to vector<2000x32xf32>
    %max3A_19 = arith.maximumf %add3A_17, %max3A_18 : vector<2000x32xf32>
    %get3A_20 = arith.constant 0 : index
    %get3A_21 = arith.constant 0 : index
    %get3A_22 = vector.load %arg6[%get3A_20, %get3A_21] : memref<16x32xf32, #tpu.memory_space<vmem>>, vector<16x32xf32>
    %dot_general3A = arith.constant dense<0.000000e+00> : vector<2000x16xf32>
    %dot_general3A_23 = tpu.matmul %max3A_19, %get3A_22, %dot_general3A {dimension_numbers = #tpu.dot_dimension_numbers<[1], [1], [0], [0], [0, 0, 1, 0], [], []>, transpose_lhs_hint = false} : vector<2000x32xf32>, vector<16x32xf32>, vector<2000x16xf32> -> vector<2000x16xf32>
    %get3A_24 = arith.constant 0 : index
    %get3A_25 = arith.constant 0 : index
    %get3A_26 = vector.load %arg7[%get3A_24, %get3A_25] : memref<1x16xf32, #tpu.memory_space<vmem>>, vector<1x16xf32>
    %add3A_27 = vector.broadcast %get3A_26 : vector<1x16xf32> to vector<2000x16xf32>
    %add3A_28 = arith.addf %dot_general3A_23, %add3A_27 : vector<2000x16xf32>
    %max3A_29 = arith.constant 0.000000e+00 : f32
    %max3A_30 = vector.broadcast %max3A_29 : f32 to vector<2000x16xf32>
    %max3A_31 = arith.maximumf %add3A_28, %max3A_30 : vector<2000x16xf32>
    %get3A_32 = arith.constant 0 : index
    %get3A_33 = arith.constant 0 : index
    %get3A_34 = vector.load %arg8[%get3A_32, %get3A_33] : memref<10x16xf32, #tpu.memory_space<vmem>>, vector<10x16xf32>
    %dot_general3A_35 = arith.constant dense<0.000000e+00> : vector<2000x10xf32>
    %dot_general3A_36 = tpu.matmul %max3A_31, %get3A_34, %dot_general3A_35 {dimension_numbers = #tpu.dot_dimension_numbers<[1], [1], [0], [0], [0, 0, 1, 0], [], []>, transpose_lhs_hint = false} : vector<2000x16xf32>, vector<10x16xf32>, vector<2000x10xf32> -> vector<2000x10xf32>
    %get3A_37 = arith.constant 0 : index
    %get3A_38 = arith.constant 0 : index
    %get3A_39 = vector.load %arg9[%get3A_37, %get3A_38] : memref<1x10xf32, #tpu.memory_space<vmem>>, vector<1x10xf32>
    %add3A_40 = vector.broadcast %get3A_39 : vector<1x10xf32> to vector<2000x10xf32>
    %add3A_41 = arith.addf %dot_general3A_36, %add3A_40 : vector<2000x10xf32>
    %swap3A = arith.constant 0 : index
    %swap3A_42 = arith.constant 0 : index
    %swap3A_43 = vector.load %arg10[%swap3A, %swap3A_42] : memref<2000x10xf32, #tpu.memory_space<vmem>>, vector<2000x10xf32>
    tpu.vector_store %arg10[%swap3A, %swap3A_42], %add3A_41 {strides = array<i32>} : memref<2000x10xf32, #tpu.memory_space<vmem>>, vector<2000x10xf32>,
    return
  }
  func.func @transform_0(%arg0: i32) -> (i32, i32) {
    %c0_i32 = arith.constant 0 : i32
    %c0_i32_0 = arith.constant 0 : i32
    return %arg0, %c0_i32 : i32, i32
  }
  func.func @transform_1(%arg0: i32) -> (i32, i32) {
    %c0_i32 = arith.constant 0 : i32
    %c0_i32_0 = arith.constant 0 : i32
    return %arg0, %c0_i32 : i32, i32
  }
  func.func @transform_2(%arg0: i32) -> (i32, i32) {
    %c0_i32 = arith.constant 0 : i32
    %c0_i32_0 = arith.constant 0 : i32
    return %arg0, %c0_i32 : i32, i32
  }
  func.func @transform_3(%arg0: i32) -> (i32, i32) {
    %c0_i32 = arith.constant 0 : i32
    %c0_i32_0 = arith.constant 0 : i32
    return %arg0, %c0_i32 : i32, i32
  }
  func.func @transform_4(%arg0: i32) -> (i32, i32) {
    %c0_i32 = arith.constant 0 : i32
    %c0_i32_0 = arith.constant 0 : i32
    %c0_i32_1 = arith.constant 0 : i32
    return %c0_i32, %c0_i32_0 : i32, i32
  }
  func.func @transform_5(%arg0: i32) -> (i32, i32) {
    %c0_i32 = arith.constant 0 : i32
    %c0_i32_0 = arith.constant 0 : i32
    %c0_i32_1 = arith.constant 0 : i32
    return %c0_i32, %c0_i32_0 : i32, i32
  }
  func.func @transform_6(%arg0: i32) -> (i32, i32) {
    %c0_i32 = arith.constant 0 : i32
    %c0_i32_0 = arith.constant 0 : i32
    %c0_i32_1 = arith.constant 0 : i32
    return %c0_i32, %c0_i32_0 : i32, i32
  }
  func.func @transform_7(%arg0: i32) -> (i32, i32) {
    %c0_i32 = arith.constant 0 : i32
    %c0_i32_0 = arith.constant 0 : i32
    %c0_i32_1 = arith.constant 0 : i32
    return %c0_i32, %c0_i32_0 : i32, i32
  }
  func.func @transform_8(%arg0: i32) -> (i32, i32) {
    %c0_i32 = arith.constant 0 : i32
    %c0_i32_0 = arith.constant 0 : i32
    %c0_i32_1 = arith.constant 0 : i32
    return %c0_i32, %c0_i32_0 : i32, i32
  }
  func.func @transform_9(%arg0: i32) -> (i32, i32) {
    %c0_i32 = arith.constant 0 : i32
    %c0_i32_0 = arith.constant 0 : i32
    return %arg0, %c0_i32 : i32, i32
  }
}

</mosaic_0001>

<sc_bundles>
// kernel: kernel.11.cloned.1.call-start
scs
__scs_entry_jumppad:
0x0: {  	(pc) =	sbr.rel $0x88, $3  }
0x1: {  	(tag) =	ssettag $0x0;
	lr =	simm.s32 $0x1  }
0x2: {  	[smem:$0x3F97] =	sst lr;
	_ =	strace $0xD0000000  }
0x3: {  	_ = 	snop  }
0x4: {  	_ = 	snop  }
0x5: {  	_ = 	snop  }
0x6: {  	_ = 	snop  }
0x7: {  	_ = 	snop  }
__scs_overlays_trampoline_lowered:
0x8: {  	[smem:$0x3FA6] =	sst s0  }
0x9: {  	[smem:$0x3FA7] =	sst s1  }
0xa: {  	[smem:$0x3FA8] =	sst s2  }
0xb: {  	[smem:$0x3FA9] =	sst s3  }
0xc: {  	[smem:$0x3FAA] =	sst s4  }
0xd: {  	[smem:$0x3FAB] =	sst s5  }
0xe: {  	[smem:$0x3FAC] =	sst s6  }
0xf: {  	[smem:$0x3FAD] =	sst s7  }
0x10: {  	[smem:$0x3FAE] =	sst s8  }
0x11: {  	[smem:$0x3FAF] =	sst s9;
	s0 =	simm.s32 @!p0 $0x0  }
0x12: {  	s1 =	sld [smem:$0x3F95];
	s0 =	simm.s32 @p0 $0x1  }
0x13: {  	[smem:$0x3FB0] =	sst s0;
	s0 =	simm.s32 @!p1 $0x0  }
0x14: {  	s2 =	sld [smem:$0x3F94];
	s0 =	simm.s32 @p1 $0x1  }
0x15: {  	[smem:$0x3FB1] =	sst s0;
	s0 =	simm.s32 @!p2 $0x0  }
0x16: {  	s3 =	sld [smem:$0x3FDB];
	s0 =	simm.s32 @p2 $0x1  }
0x17: {  	s4 =	simm.s32 $0x1BF5;
	[smem:$0x3FB3] =	sst s0  }
0x18: {  	s0 =	sld [smem:$0x3F96];
	_ =	swait.ge [sflag:s4], $0x0  }
0x19: {  	s7 =	sld [smem:$0x3F97]  }
0x1a: {  	s8 =	sadd.s32 $0xFFFFE003, lr  }
0x1b: {  	s9 =	sadd.s32 $0xFFFFFEF7, lr;
	s5 =	simm.s32 $0xFFFFFFFF;
	p2 =	slt.u32 s8, $0xFFFFF086  }
0x1c: {  	p1 =	slt.u32 s9, $0xF7A;
	s5 =	simm.s32 @!p2 $0x0  }
0x1d: {  	s5 =	simm.s32 @p1 $0x1;
	p0 =	seq.s32 s7, s2  }
0x1e: {  	s7 =	smul.u32 @!p0 $0xF7A, s2;
	p2 =	seq.s32 @!p0 s5, $0x0  }
0x1f: {  	s9 =	smul.u32 $0xF7A, s1;
	s8 =	simm.s32 @!p0 $0x1BF5;
	p2 =	por !p2, p0  }
0x20: {  	[sflag:s8] =	ssyncset.s32 @!p0 $0xFFFFF086;
	s6 =	sadd.s32 @!p0 s3, s7;
	s7 =	simm.s32 @!p0 $0x108  }
0x21: {  	s3 =	sadd.s32 s3, s9;
	s6 =	sadd.s32 @!p0 $0x88, s6;
	s7 =	simm.s32 @p2 $0x1082  }
0x22: {  	[simem:s7], [sflag:s8] =	dma.local @!p0 [hbm:s6], $0xF7A  }
0x23: {  	s9 =	sor.u32 $0xD0000000, s2;
	s6 =	simm.s32 $0x108;
	_ =	swait.ge @!p0 [sflag:s8], $0x0  }
0x24: {  	s3 =	sadd.s32 $0x88, s3;
	s6 =	simm.s32 @!p1 $0x1082;
	[sflag:s4] =	ssyncset.s32 $0xFFFFF086  }
0x25: {  	[simem:s6], [sflag:s4] =	dma.local [hbm:s3], $0xF7A  }
0x26: {  	[smem:$0x3F97] =	sst s1;
	(tag) =	ssettag s2;
	_ =	strace s9  }
0x27: {  	s1 =	sld [smem:$0x3FA7]  }
0x28: {  	s2 =	sld [smem:$0x3FA8]  }
0x29: {  	s4 =	sld [smem:$0x3FAA]  }
0x2a: {  	p0 =	seq.s32 s5, $0x0;
	s5 =	sld [smem:$0x3FAB]  }
0x2b: {  	s6 =	sld [smem:$0x3FAC]  }
0x2c: {  	s7 =	sld [smem:$0x3FAD]  }
0x2d: {  	s3 =	simm.s32 $0x108;
	s8 =	sld [smem:$0x3FAE]  }
0x2e: {  	s3 =	simm.s32 @!p0 $0x1082;
	s9 =	sld [smem:$0x3FAF]  }
0x2f: {  	lr =	sadd.s32 s0, s3;
	s0 =	sld [smem:$0x3FA6]  }
0x30: {  	s3 =	sld [smem:$0x3FA9]  }
0x31: {  	[smem:$0x3FB2] =	sst s10  }
0x32: {  	s10 =	sld [smem:$0x3FB0];
	_ =	sdelay $0x3  }
0x33: {  	p0 =	seq.s32 s10, $0x1;
	s10 =	sld [smem:$0x3FB2];
	_ =	sdelay $0x3  }
0x34: {  	[smem:$0x3FB2] =	sst s10  }
0x35: {  	s10 =	sld [smem:$0x3FB1];
	_ =	sdelay $0x3  }
0x36: {  	p1 =	seq.s32 s10, $0x1;
	s10 =	sld [smem:$0x3FB2];
	_ =	sdelay $0x3  }
0x37: {  	[smem:$0x3FB2] =	sst s10  }
0x38: {  	s10 =	sld [smem:$0x3FB3]  }
0x39: {  	_ = 	snop;
	(pc) =	sbr.ind lr, $3  }
0x3a: {  	_ = 	snop  }
0x3b: {  	_ = 	snop  }
0x3c: {  	p2 =	seq.s32 s10, $0x1;
	s10 =	sld [smem:$0x3FB2]  }
0x3d: {  	_ =	shalt  }
0x3e: {  	_ =	shalt  }
0x3f: {  	_ =	shalt  }
0x40: {  	_ =	shalt  }
0x41: {  	_ =	shalt  }
0x42: {  	_ =	shalt  }
0x43: {  	_ =	shalt  }
0x44: {  	_ =	shalt  }
0x45: {  	_ =	shalt  }
0x46: {  	_ =	shalt  }
0x47: {  	_ =	shalt  }
0x48: {  	_ =	shalt  }
0x49: {  	_ =	shalt  }
0x4a: {  	_ =	shalt  }
0x4b: {  	_ =	shalt  }
0x4c: {  	_ =	shalt  }
0x4d: {  	_ =	shalt  }
0x4e: {  	_ =	shalt  }
0x4f: {  	_ =	shalt  }
0x50: {  	_ =	shalt  }
0x51: {  	_ =	shalt  }
0x52: {  	_ =	shalt  }
0x53: {  	_ =	shalt  }
0x54: {  	_ =	shalt  }
0x55: {  	_ =	shalt  }
0x56: {  	_ =	shalt  }
0x57: {  	_ =	shalt  }
0x58: {  	_ =	shalt  }
0x59: {  	_ =	shalt  }
0x5a: {  	_ =	shalt  }
0x5b: {  	_ =	shalt  }
0x5c: {  	_ =	shalt  }
0x5d: {  	_ =	shalt  }
0x5e: {  	_ =	shalt  }
0x5f: {  	_ =	shalt  }
0x60: {  	_ =	shalt  }
0x61: {  	_ =	shalt  }
0x62: {  	_ =	shalt  }
0x63: {  	_ =	shalt  }
0x64: {  	_ =	shalt  }
0x65: {  	_ =	shalt  }
0x66: {  	_ =	shalt  }
0x67: {  	_ =	shalt  }
0x68: {  	_ =	shalt  }
0x69: {  	_ =	shalt  }
0x6a: {  	_ =	shalt  }
0x6b: {  	_ =	shalt  }
0x6c: {  	_ =	shalt  }
0x6d: {  	_ =	shalt  }
0x6e: {  	_ =	shalt  }
0x6f: {  	_ =	shalt  }
0x70: {  	_ =	shalt  }
0x71: {  	_ =	shalt  }
0x72: {  	_ =	shalt  }
0x73: {  	_ =	shalt  }
0x74: {  	_ =	shalt  }
0x75: {  	_ =	shalt  }
0x76: {  	_ =	shalt  }
0x77: {  	_ =	shalt  }
0x78: {  	_ =	shalt  }
0x79: {  	_ =	shalt  }
0x7a: {  	_ =	shalt  }
0x7b: {  	_ =	shalt  }
0x7c: {  	_ =	shalt  }
0x7d: {  	_ =	shalt  }
0x7e: {  	_ =	shalt  }
0x7f: {  	_ =	shalt  }
0x80: {  	_ =	shalt  }
0x81: {  	_ =	shalt  }
0x82: {  	_ =	shalt  }
0x83: {  	_ =	shalt  }
0x84: {  	_ =	shalt  }
0x85: {  	_ =	shalt  }
0x86: {  	_ =	shalt  }
0x87: {  	_ =	shalt  }
.Lfunc_end0:
.L_simem_size_0:
called_computation.1_lowered:
.L_overlay_start_0:
0x88: {  	s2 =	sld [smem:$0x3FD9]  }
0x89: {  	s3 =	sld [smem:$0x3FFE];
	_ =	sdelay $0x1  }
0x8a: {  	s1 =	srdreg.scid  }
0x8b: {  	s0 =	sand.u32 $0x1, s1  }
0x8c: {  	s17 =	sshll.u32 s0, $0xA;
	s2 =	sadd.s32 s3, s2  }
0x8d: {  	s2 =	sadd.s32 s2, s17  }
0x8e: {  	[smem:$0x3FBE] =	sst s2  }
0x8f: {  	_ = 	snop  }
0x90: {  	s2 =	sld [smem:$0x3FD0];
	(tm) =	ssettm $0x1  }
0x91: {  	s18 =	sld [smem:$0x3FFB];
	_ =	sdelay $0x3  }
0x92: {  	_ =	strace s18  }
0x93: {  	s3 =	sld [smem:$0x3FFC];
	_ =	sdelay $0x3  }
0x94: {  	_ =	strace s3  }
0x95: {  	s3 =	sld [smem:$0x3FFD];
	_ =	sdelay $0x3  }
0x96: {  	_ =	strace s3  }
0x97: {  	_ =	strace $0x8FFFFFFF  }
0x98: {  	s19 =	sld [smem:$0x3FDB];
	_ =	sdelay $0x1  }
0x99: {  	s4 =	simm.s32 $_scs_section_size  }
0x9a: {  	s5 =	simm.s32 $_size__tile_overlayer_lowered;
	s6 =	simm.s32 $_tile_overlayer_lowered  }
0x9b: {  	s22 =	simm.s32 $0x1BFF;
	s21 =	sshll.u32 s6, $0x1;
	s3 =	sadd.s32 s4, s19  }
0x9c: {  	s7 =	simm.s32 $0x0;
	s20 =	sshll.u32 s5, $0x1;
	s5 =	sadd.s32 s21, s3  }
0x9d: {  	[timem:s7], [sflag:s22] =	dma.local [hbm:s5], s20  }
0x9e: {  	_ =	swait.ge [sflag:s22], s20  }
0x9f: {  	s4 =	ssub.s32 $0x0, s20;
	[sflag:s22] =	ssyncset.done $0x0  }
0xa0: {  	[sflag:s22] =	ssyncadd.s32 s4;
	_ =	sdelay $0x1  }
0xa1: {  	s23 =	simm.s32 $0x1B8B  }
0xa2: {  	_ =	swait.ge [sflag:s23], $0x1  }
0xa3: {  	[sflag:s23] =	ssyncset.done $0x0  }
0xa4: {  	s25 =	simm.s32 $0x1B8E;
	s24 =	sld [smem:$0x3FFE];
	[sflag:s23] =	ssyncadd.s32 $0xFFFFFFFF  }
0xa5: {  	s26 =	simm.s32 $execute0_lowered;
	[smem:$0x3FD2] =	sst s25  }
0xa6: {  	s5 =	sshll.u32 s26, $0x1;
	_ =	strace $0x80000049;
	[dreg:$0x1] =	wrdreg $0xFFFFFFFF  }
0xa7: {  	s28 =	simm.s32 $_size_execute0_lowered;
	s3 =	sadd.s32 s3, s5;
	[dreg:$0x0] =	wrdreg $0x0  }
0xa8: {  	s5 =	sshll.u32 s28, $0x1;
	[dreg:$0x2] =	wrdreg s3  }
0xa9: {  	[dreg:$0x3] =	wrdreg s5  }
0xaa: {  	[dreg:$0x4] =	wrdreg $0xC0  }
0xab: {  	_ =	task [dreg:s7], $0x5FFFF  }
0xac: {  	[dreg:$0x1] =	wrdreg $0xFFFFFFFF  }
0xad: {  	[dreg:$0x0] =	wrdreg $0x60  }
0xae: {  	[dreg:$0x2] =	wrdreg s24  }
0xaf: {  	[dreg:$0x3] =	wrdreg s2  }
0xb0: {  	[dreg:$0x4] =	wrdreg $0x62200  }
0xb1: {  	[dreg:$0x5] =	wrdreg $0x9  }
0xb2: {  	_ =	task.clear_ibuf [dreg:s7], $0x6FFFF;
	_ =	strace $0x90000049  }
0xb3: {  	s29 =	simm.s32 $0x9;
	_ =	strace $0x8000004B  }
0xb4: {  	_ =	swait.ge [sflag:s29], $0x1  }
0xb5: {  	[sflag:s29] =	ssyncadd.s32 $0xFFFFFFFF  }
0xb6: {  	_ =	strace $0x9000004B  }
0xb7: {  	_ =	sfence  }
0xb8: {  	s30 =	sld [smem:$0x0];
	_ =	sdelay $0x2  }
0xb9: {  	s31 =	sshll.u32 s1, $0xD;
	s1 =	sshrl.u32 s1, $0x2  }
0xba: {  	s3 =	sand.u32 $0x4000, s31;
	s1 =	sadd.s32 s1, s30  }
0xbb: {  	s0 =	sor.u32 s3, s0;
	s1 =	sshll.u32 s1, $0x11  }
0xbc: {  	s0 =	sor.u32 s1, s0  }
0xbd: {  	s0 =	sadd.s32 $0x8F2B, s0  }
0xbe: {  	[sflag:s0] =	ssyncadd.remote.s32 $0x1  }
0xbf: {  	_ =	sfence.sel $0xFFFF  }
0xc0: {  	[dreg:$0x0] =	wrdreg $0xFFFFFFFF;
	(pc) =	sbr.abs _section_cstart, $3  }
0xc1: {  	[dreg:$0x1] =	wrdreg $0xFFFFFFFF  }
0xc2: {  	_ =	task.clear_ibuf [dreg:s7], $0x2FFFF;
	_ =	strace $0x9FFFFFFF  }
0xc3: {  	(tm) =	ssettm $0x7FFFFFFF  }
tec
execute0_lowered:
.L_overlay_start_1:
0x0: {  	(tag) =	ssettag $0x1  }
0x1: {  	s6 =	rddreg [dreg:$0x0]  }
0x2: {  	s2 =	rddreg [dreg:$0x1]  }
0x3: {  	s3 =	rddreg [dreg:$0x2];
	s0 =	stileid.u32  }
0x4: {  	s5 =	srdreg.scid;
	s1 =	rddreg [dreg:$0x3]  }
0x5: {  	s4 =	simm.s32 $0x0;
	s14 =	simm.s32 $0x50;
	s15 =	simm.s32 $0x4E20  }
0x6: {  	s16 =	simm.s32 $0x1;
	s17 =	simm.s32 $0x0;
	s7 =	smul.u32 $0x278, s0  }
0x7: {  	s8 =	sand.u32 $0x1, s5;
	s29 =	sshll.u32 s0, $0x1;
	[smem:$0x7FF] =	sst s4  }
0x8: {  	s12 =	sshll.u32 s0, $0x6;
	s9 =	smul.u32 $0x9C400, s8;
	s5 =	sor.u32 s8, s29  }
0x9: {  	_ =	strace $0x8000004A;
	s8 =	ssub.s32 $0x2, s8;
	s12 =	sor.u32 $0x1C02, s12  }
0xa: {  	s7 =	smin.u32 s7, $0x2498;
	s30 =	smul.u32 $0x4E2, s5;
	s31 =	sshrl.u32 s8, $0x1  }
0xb: {  	s5 =	sadd.s32 $0x3CC00, s6;
	s10 =	sshll.u32 s7, $0x6;
	s11 =	ssub.s32 s8, s31  }
0xc: {  	s9 =	sadd.s32 s9, s10;
	s7 =	sadd.s32 s30, s6;
	s13 =	sadd.s32 s10, s3  }
0xd: {  	s10 =	simm.s32 $0x2;
	s9 =	sshrl.u32 s9, $0x3;
	s13 =	sshrl.u32 s13, $0x3  }
0xe: {  	s9 =	sadd.s32 s9, s6;
	s6 =	sadd.s32 $0x1E00, s7;
	s7 =	sadd.s32 $0xBC00, s7  }
0xf: {  	s8 =	sadd.s32 $0x50600, s9;
	s9 =	smax.u32 s11, $0x1;
	s11 =	simm.s32 $0x2710  }
.LBB2_1:
0x10: {  	[tilespmem:s4], [sflag:$0x2] =	stream.linear.gather [hbm4b:s6+s4], $0x2710, $0x38;
	[tilespmem:$0xFE60] =	vst v63  }
0x11: {  	_ =	swait.ge [sflag:s10], $0x2710  }
0x12: {  	[sflag:s10] =	ssyncset.done $0x0  }
0x13: {  	[sflag:s10] =	ssyncadd.s32 $0xFFFFD8F0  }
0x14: {  	[tilespmem:s11], [sflag:$0x2] =	stream.linear.gather [hbm4b:s7+s4], $0x2710, $0x38;
	[tilespmem:$0xFE60] =	vst v63  }
0x15: {  	_ =	swait.ge [sflag:s10], $0x2710  }
0x16: {  	[sflag:s10] =	ssyncset.done $0x0  }
0x17: {  	[sflag:s10] =	ssyncadd.s32 $0xFFFFD8F0  }
0x18: {  	[spmem:s13], [sflag:s12] =	dma.local [hbm:s2], $0x13C0  }
0x19: {  	_ =	swait.ge [sflag:s10], $0x13C0  }
0x1a: {  	[sflag:s10] =	ssyncset.done $0x0  }
0x1b: {  	[sflag:s10] =	ssyncadd.s32 $0xFFFFEC40  }
0x1c: {  	s18 =	simm.s32 $0x0;
	[bflag:$0x0] =	sbarrier.arrive $0xFFFF  }
0x1d: {  	[tilespmem:s15], [sflag:$0x1] =	stream.indirect.gather [hbm4b:s5+s14], $0x40, s18, s14, $0xb8;
	[tilespmem:$0xFE60] =	vst v63  }
0x1e: {  	_ =	swait.ge [sflag:s16], $0x1400  }
0x1f: {  	[sflag:s16] =	ssyncset.done $0x0  }
0x20: {  	s31 =	simm.s32 $0x2710;
	[sflag:s16] =	ssyncadd.s32 $0xFFFFEC00  }
0x21: {  	[spmem:s3] =	stream.indirect.scatter.add.f32 [tilespmem:s15], [sflag:$0x2], $0x40, s31, s14, $0xb8;
	[tilespmem:$0xFE60] =	vst v63  }
0x22: {  	_ =	swait.ge [sflag:s10], $0x1400  }
0x23: {  	s19 =	simm.s32 $0x280;
	s18 =	simm.s32 $0x140;
	[sflag:s10] =	ssyncset.done $0x0  }
.LBB2_2:
0x24: {  	s20 =	sshra.s32 s18, $0x2  }
0x25: {  	[sflag:s10] =	ssyncadd.s32 $0xFFFFEC00;
	s18 =	smov.u32 s19;
	s21 =	sadd.s32 $0x140, s19  }
0x26: {  	[tilespmem:s15], [sflag:$0x1] =	stream.indirect.gather [hbm4b:s5+s14], $0x40, s20, s14, $0xb8;
	[tilespmem:$0xFE60] =	vst v63  }
0x27: {  	p0 =	sne.s32 s19, $0x9B00;
	_ =	swait.ge [sflag:s16], $0x1400  }
.Ltmp0:
0x28: {  	[sflag:s16] =	ssyncset.done $0x0;
	(pc) =	sbr.rel @p0 .LBB2_2-.Ltmp0, $4  }
0x29: {  	s19 =	sadd.s32 $0x2710, s20;
	[sflag:s16] =	ssyncadd.s32 $0xFFFFEC00  }
0x2a: {  	[spmem:s3] =	stream.indirect.scatter.add.f32 [tilespmem:s15], [sflag:$0x2], $0x40, s19, s14, $0xb8;
	[tilespmem:$0xFE60] =	vst v63  }
0x2b: {  	_ =	swait.ge [sflag:s10], $0x1400  }
0x2c: {  	s19 =	smov.u32 s21;
	[sflag:s10] =	ssyncset.done $0x0  }
0x2d: {  	s18 =	sshra.s32 s18, $0x2;
	[sflag:s10] =	ssyncadd.s32 $0xFFFFEC00  }
0x2e: {  	[tilespmem:s15], [sflag:$0x1] =	stream.indirect.gather [hbm4b:s5+s14], $0x40, s18, s14, $0xb8;
	[tilespmem:$0xFE60] =	vst v63  }
0x2f: {  	_ =	swait.ge [sflag:s16], $0x1400  }
0x30: {  	[sflag:s16] =	ssyncset.done $0x0  }
0x31: {  	s18 =	sadd.s32 $0x2710, s18;
	[sflag:s16] =	ssyncadd.s32 $0xFFFFEC00  }
0x32: {  	[spmem:s3] =	stream.indirect.scatter.add.f32 [tilespmem:s15], [sflag:$0x2], $0x40, s18, s14, $0xb8;
	[tilespmem:$0xFE60] =	vst v63  }
0x33: {  	_ =	swait.ge [sflag:s10], $0x1400  }
0x34: {  	s17 =	sadd.s32 $0x1, s17;
	[sflag:s10] =	ssyncset.done $0x0  }
0x35: {  	p0 =	sne.s32 s17, s9;
	[sflag:s10] =	ssyncadd.s32 $0xFFFFEC00  }
.Ltmp1:
0x36: {  	[bflag:$0x0] =	sbarrier.arrive $0xFFFF;
	(pc) =	sbr.rel @p0 .LBB2_1-.Ltmp1, $4  }
0x37: {  	[hbm:s8], [sflag:s12] =	dma.local [spmem:s13], $0x13C0  }
0x38: {  	_ =	swait.ge [sflag:s10], $0x13C0  }
0x39: {  	[sflag:s10] =	ssyncset.done $0x0  }
0x3a: {  	[sflag:s10] =	ssyncadd.s32 $0xFFFFEC40  }
0x3b: {  	_ =	sfence.sel $0x180000  }
0x3c: {  	[bflag:$0x0] =	sbarrier.arrive $0xFFFF  }
0x3d: {  	p0 =	sne.s32 s0, $0x0;
	_ =	strace $0x9000004A  }
0x3e: {  	s0 =	sadd.s32 @!p0 $0x100000, s1;
	[bflag:$0x2] =	sbarrier.arrive $0xFFFF  }
0x3f: {  	[sflag:s0] =	ssyncadd.tile.s32 @!p0 $0x1;
	_ =	shalt  }
.Lfunc_end2:
_tile_overlayer_lowered:
.L_overlay_start_2:
0x40: {  	(tag) =	ssettag $0x2  }
0x41: {  	s0 =	rddreg [dreg:$0x0];
	s2 =	stileid.u32  }
0x42: {  	s1 =	rddreg [dreg:$0x1];
	p0 =	sne.s32 s2, $0x0  }
0x43: {  	s3 =	rddreg [dreg:$0x2];
	[bflag:$0x3] =	sbarrier.arrive $0xFFFF;
	s2 =	simm.s32 @!p0 $0x1C02  }
0x44: {  	[timem:s3], [sflag:s2] =	dma.local @!p0 [hbm:s0], s1  }
0x45: {  	s0 =	simm.s32 @!p0 $0x2  }
0x46: {  	_ =	swait.ge @!p0 [sflag:s0], s1  }
0x47: {  	s1 =	ssub.s32 @!p0 $0x0, s1;
	[sflag:s0] =	ssyncset.done @!p0 $0x0  }
0x48: {  	[sflag:s0] =	ssyncadd.s32 @!p0 s1  }
0x49: {  	[bflag:$0x3] =	sbarrier.arrive $0xFFFF  }
0x4a: {  	_ =	shalt  }

// kernel: kernel.14.cloned.1.call-start
scs
__scs_entry_jumppad:
0x0: {  	(pc) =	sbr.rel $0x88, $3  }
0x1: {  	(tag) =	ssettag $0x0;
	lr =	simm.s32 $0x1  }
0x2: {  	[smem:$0x3F97] =	sst lr;
	_ =	strace $0xD0000000  }
0x3: {  	_ = 	snop  }
0x4: {  	_ = 	snop  }
0x5: {  	_ = 	snop  }
0x6: {  	_ = 	snop  }
0x7: {  	_ = 	snop  }
__scs_overlays_trampoline_lowered:
0x8: {  	[smem:$0x3FA6] =	sst s0  }
0x9: {  	[smem:$0x3FA7] =	sst s1  }
0xa: {  	[smem:$0x3FA8] =	sst s2  }
0xb: {  	[smem:$0x3FA9] =	sst s3  }
0xc: {  	[smem:$0x3FAA] =	sst s4  }
0xd: {  	[smem:$0x3FAB] =	sst s5  }
0xe: {  	[smem:$0x3FAC] =	sst s6  }
0xf: {  	[smem:$0x3FAD] =	sst s7  }
0x10: {  	[smem:$0x3FAE] =	sst s8  }
0x11: {  	[smem:$0x3FAF] =	sst s9;
	s0 =	simm.s32 @!p0 $0x0  }
0x12: {  	s1 =	sld [smem:$0x3F95];
	s0 =	simm.s32 @p0 $0x1  }
0x13: {  	[smem:$0x3FB0] =	sst s0;
	s0 =	simm.s32 @!p1 $0x0  }
0x14: {  	s2 =	sld [smem:$0x3F94];
	s0 =	simm.s32 @p1 $0x1  }
0x15: {  	[smem:$0x3FB1] =	sst s0;
	s0 =	simm.s32 @!p2 $0x0  }
0x16: {  	s3 =	sld [smem:$0x3FDB];
	s0 =	simm.s32 @p2 $0x1  }
0x17: {  	s4 =	simm.s32 $0x1BF5;
	[smem:$0x3FB3] =	sst s0  }
0x18: {  	s0 =	sld [smem:$0x3F96];
	_ =	swait.ge [sflag:s4], $0x0  }
0x19: {  	s7 =	sld [smem:$0x3F97]  }
0x1a: {  	s8 =	sadd.s32 $0xFFFFE003, lr  }
0x1b: {  	s9 =	sadd.s32 $0xFFFFFEF7, lr;
	s5 =	simm.s32 $0xFFFFFFFF;
	p2 =	slt.u32 s8, $0xFFFFF086  }
0x1c: {  	p1 =	slt.u32 s9, $0xF7A;
	s5 =	simm.s32 @!p2 $0x0  }
0x1d: {  	s5 =	simm.s32 @p1 $0x1;
	p0 =	seq.s32 s7, s2  }
0x1e: {  	s7 =	smul.u32 @!p0 $0xF7A, s2;
	p2 =	seq.s32 @!p0 s5, $0x0  }
0x1f: {  	s9 =	smul.u32 $0xF7A, s1;
	s8 =	simm.s32 @!p0 $0x1BF5;
	p2 =	por !p2, p0  }
0x20: {  	[sflag:s8] =	ssyncset.s32 @!p0 $0xFFFFF086;
	s6 =	sadd.s32 @!p0 s3, s7;
	s7 =	simm.s32 @!p0 $0x108  }
0x21: {  	s3 =	sadd.s32 s3, s9;
	s6 =	sadd.s32 @!p0 $0x88, s6;
	s7 =	simm.s32 @p2 $0x1082  }
0x22: {  	[simem:s7], [sflag:s8] =	dma.local @!p0 [hbm:s6], $0xF7A  }
0x23: {  	s9 =	sor.u32 $0xD0000000, s2;
	s6 =	simm.s32 $0x108;
	_ =	swait.ge @!p0 [sflag:s8], $0x0  }
0x24: {  	s3 =	sadd.s32 $0x88, s3;
	s6 =	simm.s32 @!p1 $0x1082;
	[sflag:s4] =	ssyncset.s32 $0xFFFFF086  }
0x25: {  	[simem:s6], [sflag:s4] =	dma.local [hbm:s3], $0xF7A  }
0x26: {  	[smem:$0x3F97] =	sst s1;
	(tag) =	ssettag s2;
	_ =	strace s9  }
0x27: {  	s1 =	sld [smem:$0x3FA7]  }
0x28: {  	s2 =	sld [smem:$0x3FA8]  }
0x29: {  	s4 =	sld [smem:$0x3FAA]  }
0x2a: {  	p0 =	seq.s32 s5, $0x0;
	s5 =	sld [smem:$0x3FAB]  }
0x2b: {  	s6 =	sld [smem:$0x3FAC]  }
0x2c: {  	s7 =	sld [smem:$0x3FAD]  }
0x2d: {  	s3 =	simm.s32 $0x108;
	s8 =	sld [smem:$0x3FAE]  }
0x2e: {  	s3 =	simm.s32 @!p0 $0x1082;
	s9 =	sld [smem:$0x3FAF]  }
0x2f: {  	lr =	sadd.s32 s0, s3;
	s0 =	sld [smem:$0x3FA6]  }
0x30: {  	s3 =	sld [smem:$0x3FA9]  }
0x31: {  	[smem:$0x3FB2] =	sst s10  }
0x32: {  	s10 =	sld [smem:$0x3FB0];
	_ =	sdelay $0x3  }
0x33: {  	p0 =	seq.s32 s10, $0x1;
	s10 =	sld [smem:$0x3FB2];
	_ =	sdelay $0x3  }
0x34: {  	[smem:$0x3FB2] =	sst s10  }
0x35: {  	s10 =	sld [smem:$0x3FB1];
	_ =	sdelay $0x3  }
0x36: {  	p1 =	seq.s32 s10, $0x1;
	s10 =	sld [smem:$0x3FB2];
	_ =	sdelay $0x3  }
0x37: {  	[smem:$0x3FB2] =	sst s10  }
0x38: {  	s10 =	sld [smem:$0x3FB3]  }
0x39: {  	_ = 	snop;
	(pc) =	sbr.ind lr, $3  }
0x3a: {  	_ = 	snop  }
0x3b: {  	_ = 	snop  }
0x3c: {  	p2 =	seq.s32 s10, $0x1;
	s10 =	sld [smem:$0x3FB2]  }
0x3d: {  	_ =	shalt  }
0x3e: {  	_ =	shalt  }
0x3f: {  	_ =	shalt  }
0x40: {  	_ =	shalt  }
0x41: {  	_ =	shalt  }
0x42: {  	_ =	shalt  }
0x43: {  	_ =	shalt  }
0x44: {  	_ =	shalt  }
0x45: {  	_ =	shalt  }
0x46: {  	_ =	shalt  }
0x47: {  	_ =	shalt  }
0x48: {  	_ =	shalt  }
0x49: {  	_ =	shalt  }
0x4a: {  	_ =	shalt  }
0x4b: {  	_ =	shalt  }
0x4c: {  	_ =	shalt  }
0x4d: {  	_ =	shalt  }
0x4e: {  	_ =	shalt  }
0x4f: {  	_ =	shalt  }
0x50: {  	_ =	shalt  }
0x51: {  	_ =	shalt  }
0x52: {  	_ =	shalt  }
0x53: {  	_ =	shalt  }
0x54: {  	_ =	shalt  }
0x55: {  	_ =	shalt  }
0x56: {  	_ =	shalt  }
0x57: {  	_ =	shalt  }
0x58: {  	_ =	shalt  }
0x59: {  	_ =	shalt  }
0x5a: {  	_ =	shalt  }
0x5b: {  	_ =	shalt  }
0x5c: {  	_ =	shalt  }
0x5d: {  	_ =	shalt  }
0x5e: {  	_ =	shalt  }
0x5f: {  	_ =	shalt  }
0x60: {  	_ =	shalt  }
0x61: {  	_ =	shalt  }
0x62: {  	_ =	shalt  }
0x63: {  	_ =	shalt  }
0x64: {  	_ =	shalt  }
0x65: {  	_ =	shalt  }
0x66: {  	_ =	shalt  }
0x67: {  	_ =	shalt  }
0x68: {  	_ =	shalt  }
0x69: {  	_ =	shalt  }
0x6a: {  	_ =	shalt  }
0x6b: {  	_ =	shalt  }
0x6c: {  	_ =	shalt  }
0x6d: {  	_ =	shalt  }
0x6e: {  	_ =	shalt  }
0x6f: {  	_ =	shalt  }
0x70: {  	_ =	shalt  }
0x71: {  	_ =	shalt  }
0x72: {  	_ =	shalt  }
0x73: {  	_ =	shalt  }
0x74: {  	_ =	shalt  }
0x75: {  	_ =	shalt  }
0x76: {  	_ =	shalt  }
0x77: {  	_ =	shalt  }
0x78: {  	_ =	shalt  }
0x79: {  	_ =	shalt  }
0x7a: {  	_ =	shalt  }
0x7b: {  	_ =	shalt  }
0x7c: {  	_ =	shalt  }
0x7d: {  	_ =	shalt  }
0x7e: {  	_ =	shalt  }
0x7f: {  	_ =	shalt  }
0x80: {  	_ =	shalt  }
0x81: {  	_ =	shalt  }
0x82: {  	_ =	shalt  }
0x83: {  	_ =	shalt  }
0x84: {  	_ =	shalt  }
0x85: {  	_ =	shalt  }
0x86: {  	_ =	shalt  }
0x87: {  	_ =	shalt  }
.Lfunc_end0:
.L_simem_size_0:
called_computation.2_lowered:
.L_overlay_start_0:
0x88: {  	s2 =	sld [smem:$0x3FD9]  }
0x89: {  	s3 =	sld [smem:$0x3FFE];
	_ =	sdelay $0x1  }
0x8a: {  	s1 =	srdreg.scid  }
0x8b: {  	s0 =	sand.u32 $0x1, s1  }
0x8c: {  	s17 =	sshll.u32 s0, $0xA;
	s2 =	sadd.s32 s3, s2  }
0x8d: {  	s2 =	sadd.s32 s2, s17  }
0x8e: {  	[smem:$0x3FBE] =	sst s2  }
0x8f: {  	_ = 	snop  }
0x90: {  	s2 =	sld [smem:$0x3FD0];
	(tm) =	ssettm $0x1  }
0x91: {  	s18 =	sld [smem:$0x3FFB];
	_ =	sdelay $0x3  }
0x92: {  	_ =	strace s18  }
0x93: {  	s3 =	sld [smem:$0x3FFC];
	_ =	sdelay $0x3  }
0x94: {  	_ =	strace s3  }
0x95: {  	s3 =	sld [smem:$0x3FFD];
	_ =	sdelay $0x3  }
0x96: {  	_ =	strace s3  }
0x97: {  	_ =	strace $0x8FFFFFFF  }
0x98: {  	s19 =	sld [smem:$0x3FDB];
	_ =	sdelay $0x1  }
0x99: {  	s4 =	simm.s32 $_scs_section_size  }
0x9a: {  	s5 =	simm.s32 $_size__tile_overlayer_lowered;
	s6 =	simm.s32 $_tile_overlayer_lowered  }
0x9b: {  	s22 =	simm.s32 $0x1BFF;
	s21 =	sshll.u32 s6, $0x1;
	s3 =	sadd.s32 s4, s19  }
0x9c: {  	s7 =	simm.s32 $0x0;
	s20 =	sshll.u32 s5, $0x1;
	s5 =	sadd.s32 s21, s3  }
0x9d: {  	[timem:s7], [sflag:s22] =	dma.local [hbm:s5], s20  }
0x9e: {  	_ =	swait.ge [sflag:s22], s20  }
0x9f: {  	s4 =	ssub.s32 $0x0, s20;
	[sflag:s22] =	ssyncset.done $0x0  }
0xa0: {  	[sflag:s22] =	ssyncadd.s32 s4;
	_ =	sdelay $0x1  }
0xa1: {  	s23 =	simm.s32 $0x1B8B  }
0xa2: {  	_ =	swait.ge [sflag:s23], $0x1  }
0xa3: {  	[sflag:s23] =	ssyncset.done $0x0  }
0xa4: {  	s25 =	simm.s32 $0x1B8E;
	s24 =	sld [smem:$0x3FFE];
	[sflag:s23] =	ssyncadd.s32 $0xFFFFFFFF  }
0xa5: {  	s26 =	simm.s32 $execute0_lowered;
	[smem:$0x3FD2] =	sst s25  }
0xa6: {  	s5 =	sshll.u32 s26, $0x1;
	_ =	strace $0x8000004C;
	[dreg:$0x1] =	wrdreg $0xFFFFFFFF  }
0xa7: {  	s28 =	simm.s32 $_size_execute0_lowered;
	s3 =	sadd.s32 s3, s5;
	[dreg:$0x0] =	wrdreg $0x0  }
0xa8: {  	s5 =	sshll.u32 s28, $0x1;
	[dreg:$0x2] =	wrdreg s3  }
0xa9: {  	[dreg:$0x3] =	wrdreg s5  }
0xaa: {  	[dreg:$0x4] =	wrdreg $0xC0  }
0xab: {  	_ =	task [dreg:s7], $0x5FFFF  }
0xac: {  	[dreg:$0x1] =	wrdreg $0xFFFFFFFF  }
0xad: {  	[dreg:$0x0] =	wrdreg $0x60  }
0xae: {  	[dreg:$0x2] =	wrdreg s24  }
0xaf: {  	[dreg:$0x3] =	wrdreg s2  }
0xb0: {  	[dreg:$0x4] =	wrdreg $0x58200  }
0xb1: {  	[dreg:$0x5] =	wrdreg $0x9  }
0xb2: {  	_ =	task.clear_ibuf [dreg:s7], $0x6FFFF;
	_ =	strace $0x9000004C  }
0xb3: {  	s29 =	simm.s32 $0x9;
	_ =	strace $0x8000004E  }
0xb4: {  	_ =	swait.ge [sflag:s29], $0x1  }
0xb5: {  	[sflag:s29] =	ssyncadd.s32 $0xFFFFFFFF  }
0xb6: {  	_ =	strace $0x9000004E  }
0xb7: {  	_ =	sfence  }
0xb8: {  	s30 =	sld [smem:$0x0];
	_ =	sdelay $0x2  }
0xb9: {  	s31 =	sshll.u32 s1, $0xD;
	s1 =	sshrl.u32 s1, $0x2  }
0xba: {  	s3 =	sand.u32 $0x4000, s31;
	s1 =	sadd.s32 s1, s30  }
0xbb: {  	s0 =	sor.u32 s3, s0;
	s1 =	sshll.u32 s1, $0x11  }
0xbc: {  	s0 =	sor.u32 s1, s0  }
0xbd: {  	s0 =	sadd.s32 $0x8F2B, s0  }
0xbe: {  	[sflag:s0] =	ssyncadd.remote.s32 $0x1  }
0xbf: {  	_ =	sfence.sel $0xFFFF  }
0xc0: {  	[dreg:$0x0] =	wrdreg $0xFFFFFFFF;
	(pc) =	sbr.abs _section_cstart, $3  }
0xc1: {  	[dreg:$0x1] =	wrdreg $0xFFFFFFFF  }
0xc2: {  	_ =	task.clear_ibuf [dreg:s7], $0x2FFFF;
	_ =	strace $0x9FFFFFFF  }
0xc3: {  	(tm) =	ssettm $0x7FFFFFFF  }
tec
execute0_lowered:
.L_overlay_start_1:
0x0: {  	(tag) =	ssettag $0x1  }
0x1: {  	s6 =	rddreg [dreg:$0x0]  }
0x2: {  	s2 =	rddreg [dreg:$0x1]  }
0x3: {  	s3 =	rddreg [dreg:$0x2];
	s0 =	stileid.u32  }
0x4: {  	s5 =	srdreg.scid;
	s1 =	rddreg [dreg:$0x3]  }
0x5: {  	s4 =	simm.s32 $0x0;
	s14 =	simm.s32 $0x50;
	s15 =	simm.s32 $0x4E20  }
0x6: {  	s16 =	simm.s32 $0x1;
	s17 =	simm.s32 $0x0;
	s7 =	smul.u32 $0x278, s0  }
0x7: {  	s8 =	sand.u32 $0x1, s5;
	s29 =	sshll.u32 s0, $0x1;
	[smem:$0x7FF] =	sst s4  }
0x8: {  	s12 =	sshll.u32 s0, $0x6;
	s9 =	smul.u32 $0x4E200, s8;
	s5 =	sor.u32 s8, s29  }
0x9: {  	_ =	strace $0x8000004D;
	s8 =	ssub.s32 $0x2, s8;
	s12 =	sor.u32 $0x1C02, s12  }
0xa: {  	s7 =	smin.u32 s7, $0x2498;
	s30 =	smul.u32 $0x4E2, s5;
	s31 =	sshrl.u32 s8, $0x1  }
0xb: {  	s5 =	sadd.s32 $0x3CC00, s6;
	s10 =	sshll.u32 s7, $0x5;
	s11 =	ssub.s32 s8, s31  }
0xc: {  	s9 =	sadd.s32 s9, s10;
	s7 =	sadd.s32 s30, s6;
	s13 =	sadd.s32 s10, s3  }
0xd: {  	s10 =	simm.s32 $0x2;
	s9 =	sshrl.u32 s9, $0x3;
	s13 =	sshrl.u32 s13, $0x3  }
0xe: {  	s9 =	sadd.s32 s9, s6;
	s6 =	sadd.s32 $0x1E00, s7;
	s7 =	sadd.s32 $0xBC00, s7  }
0xf: {  	s8 =	sadd.s32 $0x46A00, s9;
	s9 =	smax.u32 s11, $0x1;
	s11 =	simm.s32 $0x2710  }
.LBB2_1:
0x10: {  	[tilespmem:s4], [sflag:$0x2] =	stream.linear.gather [hbm4b:s6+s4], $0x2710, $0x38;
	[tilespmem:$0xA640] =	vst v63  }
0x11: {  	_ =	swait.ge [sflag:s10], $0x2710  }
0x12: {  	[sflag:s10] =	ssyncset.done $0x0  }
0x13: {  	[sflag:s10] =	ssyncadd.s32 $0xFFFFD8F0  }
0x14: {  	[tilespmem:s11], [sflag:$0x2] =	stream.linear.gather [hbm4b:s7+s4], $0x2710, $0x38;
	[tilespmem:$0xA640] =	vst v63  }
0x15: {  	_ =	swait.ge [sflag:s10], $0x2710  }
0x16: {  	[sflag:s10] =	ssyncset.done $0x0  }
0x17: {  	[sflag:s10] =	ssyncadd.s32 $0xFFFFD8F0  }
0x18: {  	[spmem:s13], [sflag:s12] =	dma.local [hbm:s2], $0x9E0  }
0x19: {  	_ =	swait.ge [sflag:s10], $0x9E0  }
0x1a: {  	[sflag:s10] =	ssyncset.done $0x0  }
0x1b: {  	[sflag:s10] =	ssyncadd.s32 $0xFFFFF620  }
0x1c: {  	s18 =	simm.s32 $0x0;
	[bflag:$0x0] =	sbarrier.arrive $0xFFFF  }
0x1d: {  	[tilespmem:s15], [sflag:$0x1] =	stream.indirect.gather [hbm4b:s5+s14], $0x20, s18, s14, $0xb8;
	[tilespmem:$0xA640] =	vst v63  }
0x1e: {  	_ =	swait.ge [sflag:s16], $0xA00  }
0x1f: {  	[sflag:s16] =	ssyncset.done $0x0  }
0x20: {  	s31 =	simm.s32 $0x2710;
	[sflag:s16] =	ssyncadd.s32 $0xFFFFF600  }
0x21: {  	[spmem:s3] =	stream.indirect.scatter.add.f32 [tilespmem:s15], [sflag:$0x2], $0x20, s31, s14, $0xb8;
	[tilespmem:$0xA640] =	vst v63  }
0x22: {  	_ =	swait.ge [sflag:s10], $0xA00  }
0x23: {  	s19 =	simm.s32 $0x280;
	s18 =	simm.s32 $0x140;
	[sflag:s10] =	ssyncset.done $0x0  }
.LBB2_2:
0x24: {  	s20 =	sshra.s32 s18, $0x2  }
0x25: {  	[sflag:s10] =	ssyncadd.s32 $0xFFFFF600;
	s18 =	smov.u32 s19;
	s21 =	sadd.s32 $0x140, s19  }
0x26: {  	[tilespmem:s15], [sflag:$0x1] =	stream.indirect.gather [hbm4b:s5+s14], $0x20, s20, s14, $0xb8;
	[tilespmem:$0xA640] =	vst v63  }
0x27: {  	p0 =	sne.s32 s19, $0x9B00;
	_ =	swait.ge [sflag:s16], $0xA00  }
.Ltmp0:
0x28: {  	[sflag:s16] =	ssyncset.done $0x0;
	(pc) =	sbr.rel @p0 .LBB2_2-.Ltmp0, $4  }
0x29: {  	s19 =	sadd.s32 $0x2710, s20;
	[sflag:s16] =	ssyncadd.s32 $0xFFFFF600  }
0x2a: {  	[spmem:s3] =	stream.indirect.scatter.add.f32 [tilespmem:s15], [sflag:$0x2], $0x20, s19, s14, $0xb8;
	[tilespmem:$0xA640] =	vst v63  }
0x2b: {  	_ =	swait.ge [sflag:s10], $0xA00  }
0x2c: {  	s19 =	smov.u32 s21;
	[sflag:s10] =	ssyncset.done $0x0  }
0x2d: {  	s18 =	sshra.s32 s18, $0x2;
	[sflag:s10] =	ssyncadd.s32 $0xFFFFF600  }
0x2e: {  	[tilespmem:s15], [sflag:$0x1] =	stream.indirect.gather [hbm4b:s5+s14], $0x20, s18, s14, $0xb8;
	[tilespmem:$0xA640] =	vst v63  }
0x2f: {  	_ =	swait.ge [sflag:s16], $0xA00  }
0x30: {  	[sflag:s16] =	ssyncset.done $0x0  }
0x31: {  	s18 =	sadd.s32 $0x2710, s18;
	[sflag:s16] =	ssyncadd.s32 $0xFFFFF600  }
0x32: {  	[spmem:s3] =	stream.indirect.scatter.add.f32 [tilespmem:s15], [sflag:$0x2], $0x20, s18, s14, $0xb8;
	[tilespmem:$0xA640] =	vst v63  }
0x33: {  	_ =	swait.ge [sflag:s10], $0xA00  }
0x34: {  	s17 =	sadd.s32 $0x1, s17;
	[sflag:s10] =	ssyncset.done $0x0  }
0x35: {  	p0 =	sne.s32 s17, s9;
	[sflag:s10] =	ssyncadd.s32 $0xFFFFF600  }
.Ltmp1:
0x36: {  	[bflag:$0x0] =	sbarrier.arrive $0xFFFF;
	(pc) =	sbr.rel @p0 .LBB2_1-.Ltmp1, $4  }
0x37: {  	[hbm:s8], [sflag:s12] =	dma.local [spmem:s13], $0x9E0  }
0x38: {  	_ =	swait.ge [sflag:s10], $0x9E0  }
0x39: {  	[sflag:s10] =	ssyncset.done $0x0  }
0x3a: {  	[sflag:s10] =	ssyncadd.s32 $0xFFFFF620  }
0x3b: {  	_ =	sfence.sel $0x180000  }
0x3c: {  	[bflag:$0x0] =	sbarrier.arrive $0xFFFF  }
0x3d: {  	p0 =	sne.s32 s0, $0x0;
	_ =	strace $0x9000004D  }
0x3e: {  	s0 =	sadd.s32 @!p0 $0x100000, s1;
	[bflag:$0x2] =	sbarrier.arrive $0xFFFF  }
0x3f: {  	[sflag:s0] =	ssyncadd.tile.s32 @!p0 $0x1;
	_ =	shalt  }
.Lfunc_end2:
_tile_overlayer_lowered:
.L_overlay_start_2:
0x40: {  	(tag) =	ssettag $0x2  }
0x41: {  	s0 =	rddreg [dreg:$0x0];
	s2 =	stileid.u32  }
0x42: {  	s1 =	rddreg [dreg:$0x1];
	p0 =	sne.s32 s2, $0x0  }
0x43: {  	s3 =	rddreg [dreg:$0x2];
	[bflag:$0x3] =	sbarrier.arrive $0xFFFF;
	s2 =	simm.s32 @!p0 $0x1C02  }
0x44: {  	[timem:s3], [sflag:s2] =	dma.local @!p0 [hbm:s0], s1  }
0x45: {  	s0 =	simm.s32 @!p0 $0x2  }
0x46: {  	_ =	swait.ge @!p0 [sflag:s0], s1  }
0x47: {  	s1 =	ssub.s32 @!p0 $0x0, s1;
	[sflag:s0] =	ssyncset.done @!p0 $0x0  }
0x48: {  	[sflag:s0] =	ssyncadd.s32 @!p0 s1  }
0x49: {  	[bflag:$0x3] =	sbarrier.arrive $0xFFFF  }
0x4a: {  	_ =	shalt  }

// kernel: kernel.8.cloned.1.call-start
scs
__scs_entry_jumppad:
0x0: {  	(pc) =	sbr.rel $0x88, $3  }
0x1: {  	(tag) =	ssettag $0x0;
	lr =	simm.s32 $0x1  }
0x2: {  	[smem:$0x3F97] =	sst lr;
	_ =	strace $0xD0000000  }
0x3: {  	_ = 	snop  }
0x4: {  	_ = 	snop  }
0x5: {  	_ = 	snop  }
0x6: {  	_ = 	snop  }
0x7: {  	_ = 	snop  }
__scs_overlays_trampoline_lowered:
0x8: {  	[smem:$0x3FA6] =	sst s0  }
0x9: {  	[smem:$0x3FA7] =	sst s1  }
0xa: {  	[smem:$0x3FA8] =	sst s2  }
0xb: {  	[smem:$0x3FA9] =	sst s3  }
0xc: {  	[smem:$0x3FAA] =	sst s4  }
0xd: {  	[smem:$0x3FAB] =	sst s5  }
0xe: {  	[smem:$0x3FAC] =	sst s6  }
0xf: {  	[smem:$0x3FAD] =	sst s7  }
0x10: {  	[smem:$0x3FAE] =	sst s8  }
0x11: {  	[smem:$0x3FAF] =	sst s9;
	s0 =	simm.s32 @!p0 $0x0  }
0x12: {  	s1 =	sld [smem:$0x3F95];
	s0 =	simm.s32 @p0 $0x1  }
0x13: {  	[smem:$0x3FB0] =	sst s0;
	s0 =	simm.s32 @!p1 $0x0  }
0x14: {  	s2 =	sld [smem:$0x3F94];
	s0 =	simm.s32 @p1 $0x1  }
0x15: {  	[smem:$0x3FB1] =	sst s0;
	s0 =	simm.s32 @!p2 $0x0  }
0x16: {  	s3 =	sld [smem:$0x3FDB];
	s0 =	simm.s32 @p2 $0x1  }
0x17: {  	s4 =	simm.s32 $0x1BF5;
	[smem:$0x3FB3] =	sst s0  }
0x18: {  	s0 =	sld [smem:$0x3F96];
	_ =	swait.ge [sflag:s4], $0x0  }
0x19: {  	s7 =	sld [smem:$0x3F97]  }
0x1a: {  	s8 =	sadd.s32 $0xFFFFE003, lr  }
0x1b: {  	s9 =	sadd.s32 $0xFFFFFEF7, lr;
	s5 =	simm.s32 $0xFFFFFFFF;
	p2 =	slt.u32 s8, $0xFFFFF086  }
0x1c: {  	p1 =	slt.u32 s9, $0xF7A;
	s5 =	simm.s32 @!p2 $0x0  }
0x1d: {  	s5 =	simm.s32 @p1 $0x1;
	p0 =	seq.s32 s7, s2  }
0x1e: {  	s7 =	smul.u32 @!p0 $0xF7A, s2;
	p2 =	seq.s32 @!p0 s5, $0x0  }
0x1f: {  	s9 =	smul.u32 $0xF7A, s1;
	s8 =	simm.s32 @!p0 $0x1BF5;
	p2 =	por !p2, p0  }
0x20: {  	[sflag:s8] =	ssyncset.s32 @!p0 $0xFFFFF086;
	s6 =	sadd.s32 @!p0 s3, s7;
	s7 =	simm.s32 @!p0 $0x108  }
0x21: {  	s3 =	sadd.s32 s3, s9;
	s6 =	sadd.s32 @!p0 $0x88, s6;
	s7 =	simm.s32 @p2 $0x1082  }
0x22: {  	[simem:s7], [sflag:s8] =	dma.local @!p0 [hbm:s6], $0xF7A  }
0x23: {  	s9 =	sor.u32 $0xD0000000, s2;
	s6 =	simm.s32 $0x108;
	_ =	swait.ge @!p0 [sflag:s8], $0x0  }
0x24: {  	s3 =	sadd.s32 $0x88, s3;
	s6 =	simm.s32 @!p1 $0x1082;
	[sflag:s4] =	ssyncset.s32 $0xFFFFF086  }
0x25: {  	[simem:s6], [sflag:s4] =	dma.local [hbm:s3], $0xF7A  }
0x26: {  	[smem:$0x3F97] =	sst s1;
	(tag) =	ssettag s2;
	_ =	strace s9  }
0x27: {  	s1 =	sld [smem:$0x3FA7]  }
0x28: {  	s2 =	sld [smem:$0x3FA8]  }
0x29: {  	s4 =	sld [smem:$0x3FAA]  }
0x2a: {  	p0 =	seq.s32 s5, $0x0;
	s5 =	sld [smem:$0x3FAB]  }
0x2b: {  	s6 =	sld [smem:$0x3FAC]  }
0x2c: {  	s7 =	sld [smem:$0x3FAD]  }
0x2d: {  	s3 =	simm.s32 $0x108;
	s8 =	sld [smem:$0x3FAE]  }
0x2e: {  	s3 =	simm.s32 @!p0 $0x1082;
	s9 =	sld [smem:$0x3FAF]  }
0x2f: {  	lr =	sadd.s32 s0, s3;
	s0 =	sld [smem:$0x3FA6]  }
0x30: {  	s3 =	sld [smem:$0x3FA9]  }
0x31: {  	[smem:$0x3FB2] =	sst s10  }
0x32: {  	s10 =	sld [smem:$0x3FB0];
	_ =	sdelay $0x3  }
0x33: {  	p0 =	seq.s32 s10, $0x1;
	s10 =	sld [smem:$0x3FB2];
	_ =	sdelay $0x3  }
0x34: {  	[smem:$0x3FB2] =	sst s10  }
0x35: {  	s10 =	sld [smem:$0x3FB1];
	_ =	sdelay $0x3  }
0x36: {  	p1 =	seq.s32 s10, $0x1;
	s10 =	sld [smem:$0x3FB2];
	_ =	sdelay $0x3  }
0x37: {  	[smem:$0x3FB2] =	sst s10  }
0x38: {  	s10 =	sld [smem:$0x3FB3]  }
0x39: {  	_ = 	snop;
	(pc) =	sbr.ind lr, $3  }
0x3a: {  	_ = 	snop  }
0x3b: {  	_ = 	snop  }
0x3c: {  	p2 =	seq.s32 s10, $0x1;
	s10 =	sld [smem:$0x3FB2]  }
0x3d: {  	_ =	shalt  }
0x3e: {  	_ =	shalt  }
0x3f: {  	_ =	shalt  }
0x40: {  	_ =	shalt  }
0x41: {  	_ =	shalt  }
0x42: {  	_ =	shalt  }
0x43: {  	_ =	shalt  }
0x44: {  	_ =	shalt  }
0x45: {  	_ =	shalt  }
0x46: {  	_ =	shalt  }
0x47: {  	_ =	shalt  }
0x48: {  	_ =	shalt  }
0x49: {  	_ =	shalt  }
0x4a: {  	_ =	shalt  }
0x4b: {  	_ =	shalt  }
0x4c: {  	_ =	shalt  }
0x4d: {  	_ =	shalt  }
0x4e: {  	_ =	shalt  }
0x4f: {  	_ =	shalt  }
0x50: {  	_ =	shalt  }
0x51: {  	_ =	shalt  }
0x52: {  	_ =	shalt  }
0x53: {  	_ =	shalt  }
0x54: {  	_ =	shalt  }
0x55: {  	_ =	shalt  }
0x56: {  	_ =	shalt  }
0x57: {  	_ =	shalt  }
0x58: {  	_ =	shalt  }
0x59: {  	_ =	shalt  }
0x5a: {  	_ =	shalt  }
0x5b: {  	_ =	shalt  }
0x5c: {  	_ =	shalt  }
0x5d: {  	_ =	shalt  }
0x5e: {  	_ =	shalt  }
0x5f: {  	_ =	shalt  }
0x60: {  	_ =	shalt  }
0x61: {  	_ =	shalt  }
0x62: {  	_ =	shalt  }
0x63: {  	_ =	shalt  }
0x64: {  	_ =	shalt  }
0x65: {  	_ =	shalt  }
0x66: {  	_ =	shalt  }
0x67: {  	_ =	shalt  }
0x68: {  	_ =	shalt  }
0x69: {  	_ =	shalt  }
0x6a: {  	_ =	shalt  }
0x6b: {  	_ =	shalt  }
0x6c: {  	_ =	shalt  }
0x6d: {  	_ =	shalt  }
0x6e: {  	_ =	shalt  }
0x6f: {  	_ =	shalt  }
0x70: {  	_ =	shalt  }
0x71: {  	_ =	shalt  }
0x72: {  	_ =	shalt  }
0x73: {  	_ =	shalt  }
0x74: {  	_ =	shalt  }
0x75: {  	_ =	shalt  }
0x76: {  	_ =	shalt  }
0x77: {  	_ =	shalt  }
0x78: {  	_ =	shalt  }
0x79: {  	_ =	shalt  }
0x7a: {  	_ =	shalt  }
0x7b: {  	_ =	shalt  }
0x7c: {  	_ =	shalt  }
0x7d: {  	_ =	shalt  }
0x7e: {  	_ =	shalt  }
0x7f: {  	_ =	shalt  }
0x80: {  	_ =	shalt  }
0x81: {  	_ =	shalt  }
0x82: {  	_ =	shalt  }
0x83: {  	_ =	shalt  }
0x84: {  	_ =	shalt  }
0x85: {  	_ =	shalt  }
0x86: {  	_ =	shalt  }
0x87: {  	_ =	shalt  }
.Lfunc_end0:
.L_simem_size_0:
called_computation_lowered:
.L_overlay_start_0:
0x88: {  	s2 =	sld [smem:$0x3FD9]  }
0x89: {  	s3 =	sld [smem:$0x3FFE];
	_ =	sdelay $0x1  }
0x8a: {  	s1 =	srdreg.scid  }
0x8b: {  	s0 =	sand.u32 $0x1, s1  }
0x8c: {  	s17 =	sshll.u32 s0, $0xA;
	s2 =	sadd.s32 s3, s2  }
0x8d: {  	s2 =	sadd.s32 s2, s17  }
0x8e: {  	[smem:$0x3FBE] =	sst s2  }
0x8f: {  	_ = 	snop  }
0x90: {  	s2 =	sld [smem:$0x3FD0];
	(tm) =	ssettm $0x1  }
0x91: {  	s18 =	sld [smem:$0x3FFB];
	_ =	sdelay $0x3  }
0x92: {  	_ =	strace s18  }
0x93: {  	s3 =	sld [smem:$0x3FFC];
	_ =	sdelay $0x3  }
0x94: {  	_ =	strace s3  }
0x95: {  	s3 =	sld [smem:$0x3FFD];
	_ =	sdelay $0x3  }
0x96: {  	_ =	strace s3  }
0x97: {  	_ =	strace $0x8FFFFFFF  }
0x98: {  	s19 =	sld [smem:$0x3FDB];
	_ =	sdelay $0x1  }
0x99: {  	s4 =	simm.s32 $_scs_section_size  }
0x9a: {  	s5 =	simm.s32 $_size__tile_overlayer_lowered;
	s6 =	simm.s32 $_tile_overlayer_lowered  }
0x9b: {  	s22 =	simm.s32 $0x1BFF;
	s21 =	sshll.u32 s6, $0x1;
	s3 =	sadd.s32 s4, s19  }
0x9c: {  	s7 =	simm.s32 $0x0;
	s20 =	sshll.u32 s5, $0x1;
	s5 =	sadd.s32 s21, s3  }
0x9d: {  	[timem:s7], [sflag:s22] =	dma.local [hbm:s5], s20  }
0x9e: {  	_ =	swait.ge [sflag:s22], s20  }
0x9f: {  	s4 =	ssub.s32 $0x0, s20;
	[sflag:s22] =	ssyncset.done $0x0  }
0xa0: {  	[sflag:s22] =	ssyncadd.s32 s4;
	_ =	sdelay $0x1  }
0xa1: {  	s23 =	simm.s32 $0x1B8B  }
0xa2: {  	_ =	swait.ge [sflag:s23], $0x1  }
0xa3: {  	[sflag:s23] =	ssyncset.done $0x0  }
0xa4: {  	s25 =	simm.s32 $0x1B8E;
	s24 =	sld [smem:$0x3FFE];
	[sflag:s23] =	ssyncadd.s32 $0xFFFFFFFF  }
0xa5: {  	s26 =	simm.s32 $execute0_lowered;
	[smem:$0x3FD2] =	sst s25  }
0xa6: {  	s5 =	sshll.u32 s26, $0x1;
	_ =	strace $0x80000046;
	[dreg:$0x1] =	wrdreg $0xFFFFFFFF  }
0xa7: {  	s28 =	simm.s32 $_size_execute0_lowered;
	s3 =	sadd.s32 s3, s5;
	[dreg:$0x0] =	wrdreg $0x0  }
0xa8: {  	s5 =	sshll.u32 s28, $0x1;
	[dreg:$0x2] =	wrdreg s3  }
0xa9: {  	[dreg:$0x3] =	wrdreg s5  }
0xaa: {  	[dreg:$0x4] =	wrdreg $0xC0  }
0xab: {  	_ =	task [dreg:s7], $0x5FFFF  }
0xac: {  	[dreg:$0x1] =	wrdreg $0xFFFFFFFF  }
0xad: {  	[dreg:$0x0] =	wrdreg $0x60  }
0xae: {  	[dreg:$0x2] =	wrdreg s24  }
0xaf: {  	[dreg:$0x3] =	wrdreg s2  }
0xb0: {  	[dreg:$0x4] =	wrdreg $0x50A00  }
0xb1: {  	[dreg:$0x5] =	wrdreg $0x9  }
0xb2: {  	_ =	task.clear_ibuf [dreg:s7], $0x6FFFF;
	_ =	strace $0x90000046  }
0xb3: {  	s29 =	simm.s32 $0x9;
	_ =	strace $0x80000048  }
0xb4: {  	_ =	swait.ge [sflag:s29], $0x1  }
0xb5: {  	[sflag:s29] =	ssyncadd.s32 $0xFFFFFFFF  }
0xb6: {  	_ =	strace $0x90000048  }
0xb7: {  	_ =	sfence  }
0xb8: {  	s30 =	sld [smem:$0x0];
	_ =	sdelay $0x2  }
0xb9: {  	s31 =	sshll.u32 s1, $0xD;
	s1 =	sshrl.u32 s1, $0x2  }
0xba: {  	s3 =	sand.u32 $0x4000, s31;
	s1 =	sadd.s32 s1, s30  }
0xbb: {  	s0 =	sor.u32 s3, s0;
	s1 =	sshll.u32 s1, $0x11  }
0xbc: {  	s0 =	sor.u32 s1, s0  }
0xbd: {  	s0 =	sadd.s32 $0x8F2B, s0  }
0xbe: {  	[sflag:s0] =	ssyncadd.remote.s32 $0x1  }
0xbf: {  	_ =	sfence.sel $0xFFFF  }
0xc0: {  	[dreg:$0x0] =	wrdreg $0xFFFFFFFF;
	(pc) =	sbr.abs _section_cstart, $3  }
0xc1: {  	[dreg:$0x1] =	wrdreg $0xFFFFFFFF  }
0xc2: {  	_ =	task.clear_ibuf [dreg:s7], $0x2FFFF;
	_ =	strace $0x9FFFFFFF  }
0xc3: {  	(tm) =	ssettm $0x7FFFFFFF  }
tec
execute0_lowered:
.L_overlay_start_1:
0x0: {  	(tag) =	ssettag $0x1  }
0x1: {  	s5 =	rddreg [dreg:$0x0]  }
0x2: {  	s8 =	rddreg [dreg:$0x1];
	s1 =	srdreg.scid  }
0x3: {  	s0 =	stileid.u32;
	s2 =	rddreg [dreg:$0x2]  }
0x4: {  	s3 =	simm.s32 $0x0;
	s14 =	simm.s32 $0x50;
	s15 =	simm.s32 $0x4E20  }
0x5: {  	s16 =	simm.s32 $0x1;
	s6 =	sand.u32 $0x1, s1;
	s1 =	rddreg [dreg:$0x3]  }
0x6: {  	s17 =	simm.s32 $0x0;
	s4 =	sshll.u32 s0, $0x1;
	[smem:$0x7FF] =	sst s3  }
0x7: {  	s10 =	smul.u32 $0x278, s0;
	s31 =	sshll.u32 s0, $0x6;
	s4 =	sor.u32 s6, s4  }
0x8: {  	_ =	strace $0x80000047;
	s9 =	ssub.s32 $0x2, s6;
	s12 =	smul.u32 $0x2710, s6  }
0x9: {  	s7 =	smul.u32 $0x4E2, s4;
	s11 =	sshrl.u32 s9, $0x1;
	s10 =	smin.u32 s10, $0x2498  }
0xa: {  	s4 =	sadd.s32 $0x1FC00, s5;
	s9 =	ssub.s32 s9, s11;
	s30 =	sshll.u32 s10, $0x3  }
0xb: {  	s8 =	sadd.s32 s8, s12;
	s11 =	simm.s32 $0x2710;
	s12 =	sor.u32 $0x1C02, s31  }
0xc: {  	s7 =	sadd.s32 s7, s5;
	s5 =	sadd.s32 $0x1F800, s5;
	s13 =	sadd.s32 s30, s2  }
0xd: {  	s8 =	sadd.s32 s10, s8;
	s9 =	smax.u32 s9, $0x1;
	s10 =	simm.s32 $0x2  }
0xe: {  	s6 =	sadd.s32 $0x15A00, s7;
	s7 =	sadd.s32 $0xBC00, s7;
	s13 =	sshrl.u32 s13, $0x3  }
.LBB2_1:
0xf: {  	[tilespmem:s3], [sflag:$0x2] =	stream.linear.gather [hbm4b:s6+s3], $0x2710, $0x38;
	[tilespmem:$0x6428] =	vst v63  }
0x10: {  	_ =	swait.ge [sflag:s10], $0x2710  }
0x11: {  	[sflag:s10] =	ssyncset.done $0x0  }
0x12: {  	[sflag:s10] =	ssyncadd.s32 $0xFFFFD8F0  }
0x13: {  	[tilespmem:s11], [sflag:$0x2] =	stream.linear.gather [hbm4b:s7+s3], $0x2710, $0x38;
	[tilespmem:$0x6428] =	vst v63  }
0x14: {  	_ =	swait.ge [sflag:s10], $0x2710  }
0x15: {  	[sflag:s10] =	ssyncset.done $0x0  }
0x16: {  	[sflag:s10] =	ssyncadd.s32 $0xFFFFD8F0  }
0x17: {  	[spmem:s13], [sflag:s12] =	dma.local [hbm:s5], $0x278  }
0x18: {  	_ =	swait.ge [sflag:s10], $0x278  }
0x19: {  	[sflag:s10] =	ssyncset.done $0x0  }
0x1a: {  	[sflag:s10] =	ssyncadd.s32 $0xFFFFFD88  }
0x1b: {  	s18 =	simm.s32 $0x0;
	[bflag:$0x0] =	sbarrier.arrive $0xFFFF  }
0x1c: {  	[tilespmem:s15], [sflag:$0x1] =	stream.indirect.gather [hbm4b:s4+s14], $0x8, s18, s14, $0xb8;
	[tilespmem:$0x6428] =	vst v63  }
0x1d: {  	_ =	swait.ge [sflag:s16], $0x280  }
0x1e: {  	[sflag:s16] =	ssyncset.done $0x0  }
0x1f: {  	s31 =	simm.s32 $0x2710;
	[sflag:s16] =	ssyncadd.s32 $0xFFFFFD80  }
0x20: {  	[spmem:s2] =	stream.indirect.scatter.add.f32 [tilespmem:s15], [sflag:$0x2], $0x8, s31, s14, $0xb8;
	[tilespmem:$0x6428] =	vst v63  }
0x21: {  	_ =	swait.ge [sflag:s10], $0x280  }
0x22: {  	s19 =	simm.s32 $0x280;
	s18 =	simm.s32 $0x140;
	[sflag:s10] =	ssyncset.done $0x0  }
.LBB2_2:
0x23: {  	s20 =	sshra.s32 s18, $0x2  }
0x24: {  	[sflag:s10] =	ssyncadd.s32 $0xFFFFFD80;
	s18 =	smov.u32 s19;
	s21 =	sadd.s32 $0x140, s19  }
0x25: {  	[tilespmem:s15], [sflag:$0x1] =	stream.indirect.gather [hbm4b:s4+s14], $0x8, s20, s14, $0xb8;
	[tilespmem:$0x6428] =	vst v63  }
0x26: {  	p0 =	sne.s32 s19, $0x9B00;
	_ =	swait.ge [sflag:s16], $0x280  }
.Ltmp0:
0x27: {  	[sflag:s16] =	ssyncset.done $0x0;
	(pc) =	sbr.rel @p0 .LBB2_2-.Ltmp0, $4  }
0x28: {  	s19 =	sadd.s32 $0x2710, s20;
	[sflag:s16] =	ssyncadd.s32 $0xFFFFFD80  }
0x29: {  	[spmem:s2] =	stream.indirect.scatter.add.f32 [tilespmem:s15], [sflag:$0x2], $0x8, s19, s14, $0xb8;
	[tilespmem:$0x6428] =	vst v63  }
0x2a: {  	_ =	swait.ge [sflag:s10], $0x280  }
0x2b: {  	s19 =	smov.u32 s21;
	[sflag:s10] =	ssyncset.done $0x0  }
0x2c: {  	s18 =	sshra.s32 s18, $0x2;
	[sflag:s10] =	ssyncadd.s32 $0xFFFFFD80  }
0x2d: {  	[tilespmem:s15], [sflag:$0x1] =	stream.indirect.gather [hbm4b:s4+s14], $0x8, s18, s14, $0xb8;
	[tilespmem:$0x6428] =	vst v63  }
0x2e: {  	_ =	swait.ge [sflag:s16], $0x280  }
0x2f: {  	[sflag:s16] =	ssyncset.done $0x0  }
0x30: {  	s18 =	sadd.s32 $0x2710, s18;
	[sflag:s16] =	ssyncadd.s32 $0xFFFFFD80  }
0x31: {  	[spmem:s2] =	stream.indirect.scatter.add.f32 [tilespmem:s15], [sflag:$0x2], $0x8, s18, s14, $0xb8;
	[tilespmem:$0x6428] =	vst v63  }
0x32: {  	_ =	swait.ge [sflag:s10], $0x280  }
0x33: {  	s17 =	sadd.s32 $0x1, s17;
	[sflag:s10] =	ssyncset.done $0x0  }
0x34: {  	p0 =	sne.s32 s17, s9;
	[sflag:s10] =	ssyncadd.s32 $0xFFFFFD80  }
.Ltmp1:
0x35: {  	[bflag:$0x0] =	sbarrier.arrive $0xFFFF;
	(pc) =	sbr.rel @p0 .LBB2_1-.Ltmp1, $4  }
0x36: {  	[hbm:s8], [sflag:s12] =	dma.local [spmem:s13], $0x278  }
0x37: {  	_ =	swait.ge [sflag:s10], $0x278  }
0x38: {  	[sflag:s10] =	ssyncset.done $0x0  }
0x39: {  	[sflag:s10] =	ssyncadd.s32 $0xFFFFFD88  }
0x3a: {  	_ =	sfence.sel $0x180000  }
0x3b: {  	[bflag:$0x0] =	sbarrier.arrive $0xFFFF  }
0x3c: {  	p0 =	sne.s32 s0, $0x0;
	_ =	strace $0x90000047  }
0x3d: {  	s0 =	sadd.s32 @!p0 $0x100000, s1;
	[bflag:$0x2] =	sbarrier.arrive $0xFFFF  }
0x3e: {  	[sflag:s0] =	ssyncadd.tile.s32 @!p0 $0x1;
	_ =	shalt  }
.Lfunc_end2:
_tile_overlayer_lowered:
.L_overlay_start_2:
0x3f: {  	(tag) =	ssettag $0x2  }
0x40: {  	s0 =	rddreg [dreg:$0x0];
	s2 =	stileid.u32  }
0x41: {  	s1 =	rddreg [dreg:$0x1];
	p0 =	sne.s32 s2, $0x0  }
0x42: {  	s3 =	rddreg [dreg:$0x2];
	[bflag:$0x3] =	sbarrier.arrive $0xFFFF;
	s2 =	simm.s32 @!p0 $0x1C02  }
0x43: {  	[timem:s3], [sflag:s2] =	dma.local @!p0 [hbm:s0], s1  }
0x44: {  	s0 =	simm.s32 @!p0 $0x2  }
0x45: {  	_ =	swait.ge @!p0 [sflag:s0], s1  }
0x46: {  	s1 =	ssub.s32 @!p0 $0x0, s1;
	[sflag:s0] =	ssyncset.done @!p0 $0x0  }
0x47: {  	[sflag:s0] =	ssyncadd.s32 @!p0 s1  }
0x48: {  	[bflag:$0x3] =	sbarrier.arrive $0xFFFF  }
0x49: {  	_ =	shalt  }

</sc_bundles>
